<compile_context>
chip_gen: v7x
topology: tpu7x:2x2x1
jax: 0.10.2.dev20260603
libtpu: 0.0.44.dev20260713+nightly
codegen_flags: <defaults>
</compile_context>

<pallas_src>
import functools

import jax
import jax.numpy as jnp
from jax import lax
from jax.experimental import pallas as pl
from jax.experimental.pallas import tpu as pltpu
from jax.experimental.pallas import tpu_sc as plsc

NC = 2
NS = 16
NW = NC * NS
LANES = 16
CHUNK = 128


def _make_sc_pass(n_pad, e_worker, d, with_deg):
    n_chunks = e_worker // CHUNK
    rows_per_sub = n_pad // NS
    mesh = plsc.VectorSubcoreMesh(core_axis_name="c", subcore_axis_name="s")

    out_type = [jax.ShapeDtypeStruct((NC * n_pad, d), jnp.float32)]
    scratch = [
        pltpu.VMEM((CHUNK,), jnp.int32),
        pltpu.VMEM((CHUNK,), jnp.int32),
        pltpu.VMEM((CHUNK, d), jnp.float32),
        pltpu.VMEM_SHARED((n_pad, d), jnp.float32),
    ]
    if with_deg:
        out_type.append(jax.ShapeDtypeStruct((NW * n_pad,), jnp.float32))
        scratch.append(pltpu.VMEM((n_pad,), jnp.float32))

    @functools.partial(
        pl.kernel, out_type=out_type, mesh=mesh, scratch_types=scratch,
        compiler_params=pltpu.CompilerParams(needs_layout_passes=False))
    def sc_pass(*refs):
        if with_deg:
            (src_hbm, dst_hbm, x_hbm, zero_hbm,
             agg_out, deg_out, src_v, dst_v, rows_v, acc_sh, deg_v) = refs
        else:
            (src_hbm, dst_hbm, x_hbm, zero_hbm,
             agg_out, src_v, dst_v, rows_v, acc_sh) = refs

        core = lax.axis_index("c")
        sid = lax.axis_index("s")
        wid = sid * NC + core
        rbase = sid * rows_per_sub

        pltpu.sync_copy(zero_hbm.at[pl.ds(rbase, rows_per_sub)],
                        acc_sh.at[pl.ds(rbase, rows_per_sub)])
        if with_deg:
            @pl.loop(0, n_pad // LANES)
            def _(i):
                deg_v[pl.ds(i * LANES, LANES)] = jnp.zeros(
                    (LANES,), jnp.float32)
        plsc.subcore_barrier()

        ebase = wid * e_worker

        @pl.loop(0, n_chunks)
        def _(ci):
            off = ebase + ci * CHUNK
            pltpu.sync_copy(src_hbm.at[pl.ds(off, CHUNK)], src_v)
            pltpu.sync_copy(dst_hbm.at[pl.ds(off, CHUNK)], dst_v)
            pltpu.sync_copy(x_hbm.at[src_v], rows_v)
            pltpu.sync_copy(rows_v, acc_sh.at[dst_v], add=True)
            if with_deg:
                @pl.loop(0, CHUNK // LANES)
                def _(j):
                    dv = dst_v[pl.ds(j * LANES, LANES)]
                    plsc.addupdate_scatter(
                        deg_v, [dv], jnp.full((LANES,), 1.0, jnp.float32))

        plsc.subcore_barrier()

        obase = core * n_pad + rbase
        pltpu.sync_copy(acc_sh.at[pl.ds(rbase, rows_per_sub)],
                        agg_out.at[pl.ds(obase, rows_per_sub)])
        if with_deg:
            pltpu.sync_copy(deg_v, deg_out.at[pl.ds(wid * n_pad, n_pad)])

    return sc_pass


def _tc_sage_layer(agg, degp, x, wlT, wrT, bl, blk):
    n, d = x.shape

    def body(agg0_r, agg1_r, degp_r, x_r, wl_r, wr_r, bl_r, o_r, deg_r):
        deg = jnp.maximum(jnp.sum(degp_r[...], axis=1, keepdims=True), 1.0)
        mean = (agg0_r[0] + agg1_r[0]) / deg
        h = (jnp.dot(mean, wl_r[...], precision=lax.Precision.HIGHEST,
                     preferred_element_type=jnp.float32)
             + bl_r[...]
             + jnp.dot(x_r[...], wr_r[...], precision=lax.Precision.HIGHEST,
                       preferred_element_type=jnp.float32))
        o_r[...] = jnp.maximum(h, 0.0)
        deg_r[...] = deg

    return pl.pallas_call(
        body,
        grid=(n // blk,),
        in_specs=[
            pl.BlockSpec((1, blk, d), lambda i: (0, i, 0)),
            pl.BlockSpec((1, blk, d), lambda i: (1, i, 0)),
            pl.BlockSpec((blk, NW), lambda i: (i, 0)),
            pl.BlockSpec((blk, d), lambda i: (i, 0)),
            pl.BlockSpec((d, d), lambda i: (0, 0)),
            pl.BlockSpec((d, d), lambda i: (0, 0)),
            pl.BlockSpec((1, d), lambda i: (0, 0)),
        ],
        out_specs=[
            pl.BlockSpec((blk, d), lambda i: (i, 0)),
            pl.BlockSpec((blk, 1), lambda i: (i, 0)),
        ],
        out_shape=[
            jax.ShapeDtypeStruct((n, d), jnp.float32),
            jax.ShapeDtypeStruct((n, 1), jnp.float32),
        ],
    )(agg, agg, degp, x, wlT, wrT, bl.reshape(1, d))


def _tc_layer1_post(agg, deg, h, wlT, wrT, bl, wp1T, bp1, wp2T, bp2, blk):
    n, d = h.shape
    d_mid = wp1T.shape[1]
    d_out = wp2T.shape[1]

    def body(agg0_r, agg1_r, deg_r, h_r, wl_r, wr_r, bl_r,
             wp1_r, bp1_r, wp2_r, bp2_r, o_r):
        mean = (agg0_r[0] + agg1_r[0]) / deg_r[...]
        h1 = (jnp.dot(mean, wl_r[...], precision=lax.Precision.HIGHEST,
                      preferred_element_type=jnp.float32)
              + bl_r[...]
              + jnp.dot(h_r[...], wr_r[...], precision=lax.Precision.HIGHEST,
                        preferred_element_type=jnp.float32))
        h1 = jnp.maximum(h1, 0.0)
        t = jnp.maximum(
            jnp.dot(h1, wp1_r[...], precision=lax.Precision.HIGHEST,
                    preferred_element_type=jnp.float32) + bp1_r[...], 0.0)
        z = jnp.dot(t, wp2_r[...], precision=lax.Precision.HIGHEST,
                    preferred_element_type=jnp.float32) + bp2_r[...]
        m = jnp.max(z, axis=1, keepdims=True)
        lse = m + jnp.log(jnp.sum(jnp.exp(z - m), axis=1, keepdims=True))
        o_r[...] = z - lse

    return pl.pallas_call(
        body,
        grid=(n // blk,),
        in_specs=[
            pl.BlockSpec((1, blk, d), lambda i: (0, i, 0)),
            pl.BlockSpec((1, blk, d), lambda i: (1, i, 0)),
            pl.BlockSpec((blk, 1), lambda i: (i, 0)),
            pl.BlockSpec((blk, d), lambda i: (i, 0)),
            pl.BlockSpec((d, d), lambda i: (0, 0)),
            pl.BlockSpec((d, d), lambda i: (0, 0)),
            pl.BlockSpec((1, d), lambda i: (0, 0)),
            pl.BlockSpec((d, d_mid), lambda i: (0, 0)),
            pl.BlockSpec((1, d_mid), lambda i: (0, 0)),
            pl.BlockSpec((d_mid, d_out), lambda i: (0, 0)),
            pl.BlockSpec((1, d_out), lambda i: (0, 0)),
        ],
        out_specs=pl.BlockSpec((blk, d_out), lambda i: (i, 0)),
        out_shape=jax.ShapeDtypeStruct((n, d_out), jnp.float32),
    )(agg, agg, deg, h, wlT, wrT, bl.reshape(1, d),
      wp1T, bp1.reshape(1, d_mid), wp2T, bp2.reshape(1, d_out))


def kernel(x, edge_index, batch, Wl0, Wr0, bl0, Wl1, Wr1, bl1,
           Wp1, bp1, Wp2, bp2):
    n, d = x.shape
    e = edge_index.shape[1]

    e_worker = -(-e // (NW * CHUNK)) * CHUNK
    e_pad = NW * e_worker
    n_pad = -(-n // (NS * 8)) * (NS * 8)
    if n_pad == n:
        n_pad = n + NS * 8

    src = edge_index[0]
    dst = edge_index[1]
    pad = e_pad - e
    srcp = jnp.concatenate([src, jnp.zeros((pad,), jnp.int32)])
    dstp = jnp.concatenate([dst, jnp.full((pad,), n_pad - 1, jnp.int32)])
    zf = jnp.zeros((n_pad, d), jnp.float32)

    sc_pass0 = _make_sc_pass(n_pad, e_worker, d, with_deg=True)
    sc_pass1 = _make_sc_pass(n_pad, e_worker, d, with_deg=False)

    agg0, degp = sc_pass0(srcp, dstp, x, zf)
    agg0 = agg0.reshape(NC, n_pad, d)
    degp = degp.reshape(NW, n_pad).T
    h0, deg = _tc_sage_layer(agg0, degp, x, Wl0.T, Wr0.T, bl0, blk=2000)
    (agg1,) = sc_pass1(srcp, dstp, h0, zf)
    agg1 = agg1.reshape(NC, n_pad, d)
    return _tc_layer1_post(agg1, deg, h0, Wl1.T, Wr1.T, bl1,
                           Wp1.T, bp1, Wp2.T, bp2, blk=2000)

# --- scband reference (transcript-rebuilt; emitter-appended) ---
"""Pipeline reference for scband-gnnstack-38878043964109 (READ-ONLY COPY).

The authoritative reference and input builder live on the scoring server;
editing this copy changes nothing except your own understanding.
"""

import jax, jax.numpy as jnp
import numpy as np

N = 10000
E = 320000
D_IN = 128
D_H = 128
D_MID = 64
D_OUT = 64


def setup_inputs(seed: int = 0) -> dict:
    key = jax.random.key(seed)
    ks = jax.random.split(key, 16)
    x = jax.random.normal(ks[0], (N, D_IN), dtype=jnp.float32)
    edge_index = jax.random.randint(ks[1], (2, E), 0, N, dtype=jnp.int32)
    batch = jnp.zeros((N,), dtype=jnp.int32)
    # SAGEConv layer 0: lin_l (neighbor agg, with bias), lin_r (root, no bias)
    Wl0 = jax.random.normal(ks[2], (D_H, D_IN), dtype=jnp.float32) / np.sqrt(D_IN)
    Wr0 = jax.random.normal(ks[3], (D_H, D_IN), dtype=jnp.float32) / np.sqrt(D_IN)
    bl0 = jnp.zeros((D_H,), dtype=jnp.float32)
    # SAGEConv layer 1
    Wl1 = jax.random.normal(ks[4], (D_H, D_H), dtype=jnp.float32) / np.sqrt(D_H)
    Wr1 = jax.random.normal(ks[5], (D_H, D_H), dtype=jnp.float32) / np.sqrt(D_H)
    bl1 = jnp.zeros((D_H,), dtype=jnp.float32)
    # post_mp: Linear(D_H, D_H//2) -> ReLU -> Dropout(eval) -> Linear(D_H//2, D_OUT)
    Wp1 = jax.random.normal(ks[6], (D_MID, D_H), dtype=jnp.float32) / np.sqrt(D_H)
    bp1 = jnp.zeros((D_MID,), dtype=jnp.float32)
    Wp2 = jax.random.normal(ks[7], (D_OUT, D_MID), dtype=jnp.float32) / np.sqrt(D_MID)
    bp2 = jnp.zeros((D_OUT,), dtype=jnp.float32)
    return {"x": x, "edge_index": edge_index, "batch": batch,
            "Wl0": Wl0, "Wr0": Wr0, "bl0": bl0,
            "Wl1": Wl1, "Wr1": Wr1, "bl1": bl1,
            "Wp1": Wp1, "bp1": bp1, "Wp2": Wp2, "bp2": bp2}


def _sage_conv(x, src, dst, Wl, Wr, bl):
    # PyG SAGEConv (aggr='mean'): out = lin_l(mean_{j in N(i)} x_j) + lin_r(x_i)
    msg = jnp.take(x, src, axis=0)  # gather source-node features [E, d]
    agg = jax.ops.segment_sum(msg, dst, num_segments=N)
    deg = jax.ops.segment_sum(jnp.ones((src.shape[0], 1), dtype=x.dtype), dst, num_segments=N)
    mean = agg / jnp.maximum(deg, 1.0)
    return mean @ Wl.T + bl + x @ Wr.T


def reference(x, edge_index, batch, Wl0, Wr0, bl0, Wl1, Wr1, bl1, Wp1, bp1, Wp2, bp2):
    src = edge_index[0]
    dst = edge_index[1]
    # layer 0 + ReLU (dropout is identity in eval mode)
    h = jax.nn.relu(_sage_conv(x, src, dst, Wl0, Wr0, bl0))
    # layer 1 + ReLU
    h = jax.nn.relu(_sage_conv(h, src, dst, Wl1, Wr1, bl1))
    # post_mp (task='node' so no graph pooling)
    h = jax.nn.relu(h @ Wp1.T + bp1)
    h = h @ Wp2.T + bp2
    return jax.nn.log_softmax(h, axis=1)

if __name__ == "__main__":
    import jax
    _d = setup_inputs()
    print(jax.jit(kernel)(*tuple(_d.values())))

</pallas_src>

<mosaic_0001>
#map = affine_map<(d0, d1) -> (0)>
#map1 = affine_map<(d0, d1) -> (0, 0)>
module attributes {stable_mosaic.version = 14 : i64} {
  func.func @sc_pass(%arg0: i32, %arg1: i32, %arg2: memref<323584xi32, #tpu.memory_space<hbm>>, %arg3: memref<323584xi32, #tpu.memory_space<hbm>>, %arg4: memref<10000x128xf32, #tpu.memory_space<hbm>>, %arg5: memref<10112x128xf32, #tpu.memory_space<hbm>>, %arg6: memref<20224x128xf32, #tpu.memory_space<hbm>>, %arg7: memref<128xi32, #tpu.memory_space<vmem>>, %arg8: memref<128xi32, #tpu.memory_space<vmem>>, %arg9: memref<128x128xf32, #tpu.memory_space<vmem>>, %arg10: memref<10112x128xf32, #tpu.memory_space<vmem_shared>>) attributes {dimension_semantics = [#tpu.dimension_semantics<core_parallel>, #tpu.dimension_semantics<subcore_parallel>], iteration_bounds = array<i64: 2, 16>, scalar_prefetch = 0 : i64, scratch_operands = 4 : i64, tpu.core_type = #tpu.core_type<sc_vector_subcore>, window_params = [{transform_indices = #map}, {transform_indices = #map}, {transform_indices = #map1}, {transform_indices = #map1}, {transform_indices = #map1}]} {
    %mul3A = arith.constant 2 : i32
    %mul3A_0 = arith.muli %arg1, %mul3A : i32
    %add3A = arith.addi %mul3A_0, %arg0 : i32
    %mul3A_1 = arith.constant 632 : i32
    %mul3A_2 = arith.muli %arg1, %mul3A_1 : i32
    "tpu.region"() ({
      %run_scoped3A = tpu.sem_alloc : memref<!tpu.dma_semaphore, #tpu.memory_space<semaphore_mem>>
      %dma_start3A = arith.constant 0 : i32
      %dma_start3A_13 = tpu.memref_slice %arg10[%mul3A_2, %dma_start3A] : memref<10112x128xf32, #tpu.memory_space<vmem_shared>> -> memref<632x128xf32, #tpu.memory_space<vmem_shared>>
      %dma_start3A_14 = arith.constant 0 : i32
      %dma_start3A_15 = tpu.memref_slice %arg5[%mul3A_2, %dma_start3A_14] : memref<10112x128xf32, #tpu.memory_space<hbm>> -> memref<632x128xf32, #tpu.memory_space<hbm>>
      tpu.enqueue_dma source(%dma_start3A_15 : memref<632x128xf32, #tpu.memory_space<hbm>>) target(%dma_start3A_13 : memref<632x128xf32, #tpu.memory_space<vmem_shared>>) target_semaphore(%run_scoped3A : memref<!tpu.dma_semaphore, #tpu.memory_space<semaphore_mem>>)
      %dma_wait3A = arith.constant 0 : i32
      %dma_wait3A_16 = tpu.memref_slice %arg10[%mul3A_2, %dma_wait3A] : memref<10112x128xf32, #tpu.memory_space<vmem_shared>> -> memref<632x128xf32, #tpu.memory_space<vmem_shared>>
      %dma_wait3A_17 = arith.constant 0 : i32
      %dma_wait3A_18 = tpu.memref_slice %arg5[%mul3A_2, %dma_wait3A_17] : memref<10112x128xf32, #tpu.memory_space<hbm>> -> memref<632x128xf32, #tpu.memory_space<hbm>>
      tpu.wait_dma2 semaphore(%run_scoped3A : memref<!tpu.dma_semaphore, #tpu.memory_space<semaphore_mem>>) src(%dma_wait3A_18 : memref<632x128xf32, #tpu.memory_space<hbm>>) dst(%dma_wait3A_16 : memref<632x128xf32, #tpu.memory_space<vmem_shared>>)
      tpu.yield
    }) : () -> ()
    %barrier3A = arith.constant 0 : index
    tpu.barrier barrier_id(%barrier3A)
    %mul3A_3 = arith.constant 10112 : i32
    %mul3A_4 = arith.muli %add3A, %mul3A_3 : i32
    %scan3A = arith.constant 0 : i32
    %scan3A_5 = arith.constant 79 : i32
    %scan3A_6 = arith.addi %scan3A, %scan3A_5 : i32
    %scan3A_7 = arith.constant 1 : i32
    scf.for %scan3A_13 = %scan3A to %scan3A_6 step %scan3A_7  : i32 {
      %mul3A_14 = arith.constant 1 : i32
      %mul3A_15 = arith.muli %scan3A_13, %mul3A_14 : i32
      %add3A_16 = arith.constant 0 : i32
      %add3A_17 = arith.addi %add3A_16, %mul3A_15 : i32
      %mul3A_18 = arith.constant 128 : i32
      %mul3A_19 = arith.muli %add3A_17, %mul3A_18 : i32
      %add3A_20 = arith.addi %mul3A_4, %mul3A_19 : i32
      "tpu.region"() ({
        %run_scoped3A = tpu.sem_alloc : memref<!tpu.dma_semaphore, #tpu.memory_space<semaphore_mem>>
        %dma_start3A = tpu.memref_slice %arg2[%add3A_20] : memref<323584xi32, #tpu.memory_space<hbm>> -> memref<128xi32, #tpu.memory_space<hbm>>
        %dma_start3A_21 = tpu.memref_slice %arg2[%add3A_20] : memref<323584xi32, #tpu.memory_space<hbm>> -> memref<128xi32, #tpu.memory_space<hbm>>
        tpu.enqueue_dma source(%dma_start3A_21 : memref<128xi32, #tpu.memory_space<hbm>>) target(%arg7 : memref<128xi32, #tpu.memory_space<vmem>>) target_semaphore(%run_scoped3A : memref<!tpu.dma_semaphore, #tpu.memory_space<semaphore_mem>>)
        %dma_wait3A = tpu.memref_slice %arg2[%add3A_20] : memref<323584xi32, #tpu.memory_space<hbm>> -> memref<128xi32, #tpu.memory_space<hbm>>
        %dma_wait3A_22 = tpu.memref_slice %arg2[%add3A_20] : memref<323584xi32, #tpu.memory_space<hbm>> -> memref<128xi32, #tpu.memory_space<hbm>>
        tpu.wait_dma2 semaphore(%run_scoped3A : memref<!tpu.dma_semaphore, #tpu.memory_space<semaphore_mem>>) src(%dma_wait3A_22 : memref<128xi32, #tpu.memory_space<hbm>>) dst(%arg7 : memref<128xi32, #tpu.memory_space<vmem>>)
        tpu.yield
      }) : () -> ()
      "tpu.region"() ({
        %run_scoped3A = tpu.sem_alloc : memref<!tpu.dma_semaphore, #tpu.memory_space<semaphore_mem>>
        %dma_start3A = tpu.memref_slice %arg3[%add3A_20] : memref<323584xi32, #tpu.memory_space<hbm>> -> memref<128xi32, #tpu.memory_space<hbm>>
        %dma_start3A_21 = tpu.memref_slice %arg3[%add3A_20] : memref<323584xi32, #tpu.memory_space<hbm>> -> memref<128xi32, #tpu.memory_space<hbm>>
        tpu.enqueue_dma source(%dma_start3A_21 : memref<128xi32, #tpu.memory_space<hbm>>) target(%arg8 : memref<128xi32, #tpu.memory_space<vmem>>) target_semaphore(%run_scoped3A : memref<!tpu.dma_semaphore, #tpu.memory_space<semaphore_mem>>)
        %dma_wait3A = tpu.memref_slice %arg3[%add3A_20] : memref<323584xi32, #tpu.memory_space<hbm>> -> memref<128xi32, #tpu.memory_space<hbm>>
        %dma_wait3A_22 = tpu.memref_slice %arg3[%add3A_20] : memref<323584xi32, #tpu.memory_space<hbm>> -> memref<128xi32, #tpu.memory_space<hbm>>
        tpu.wait_dma2 semaphore(%run_scoped3A : memref<!tpu.dma_semaphore, #tpu.memory_space<semaphore_mem>>) src(%dma_wait3A_22 : memref<128xi32, #tpu.memory_space<hbm>>) dst(%arg8 : memref<128xi32, #tpu.memory_space<vmem>>)
        tpu.yield
      }) : () -> ()
      "tpu.region"() ({
        %run_scoped3A = tpu.sem_alloc : memref<!tpu.dma_semaphore, #tpu.memory_space<semaphore_mem>>
        %dma_start3A = arith.constant 0 : i32
        %dma_start3A_21 = arith.constant 0 : i32
        %dma_start3A_22 = tpu.memref_slice %arg4[%dma_start3A, %dma_start3A_21] : memref<10000x128xf32, #tpu.memory_space<hbm>> -> memref<10000x128xf32, #tpu.memory_space<hbm>>
        tpu.enqueue_indirect_dma source(%dma_start3A_22 : memref<10000x128xf32, #tpu.memory_space<hbm>>) target(%arg9 : memref<128x128xf32, #tpu.memory_space<vmem>>) offsets(%arg7 : memref<128xi32, #tpu.memory_space<vmem>>) semaphore(%run_scoped3A : memref<!tpu.dma_semaphore, #tpu.memory_space<semaphore_mem>>)
        %dma_wait3A = arith.constant 0 : i32
        %dma_wait3A_23 = arith.constant 0 : i32
        %dma_wait3A_24 = tpu.memref_slice %arg4[%dma_wait3A, %dma_wait3A_23] : memref<10000x128xf32, #tpu.memory_space<hbm>> -> memref<10000x128xf32, #tpu.memory_space<hbm>>
        tpu.wait_indirect_dma semaphore(%run_scoped3A : memref<!tpu.dma_semaphore, #tpu.memory_space<semaphore_mem>>) src(%dma_wait3A_24 : memref<10000x128xf32, #tpu.memory_space<hbm>>) dst(%arg9 : memref<128x128xf32, #tpu.memory_space<vmem>>)
        tpu.yield
      }) : () -> ()
      "tpu.region"() ({
        %run_scoped3A = tpu.sem_alloc : memref<!tpu.dma_semaphore, #tpu.memory_space<semaphore_mem>>
        %dma_start3A = arith.constant 0 : i32
        %dma_start3A_21 = arith.constant 0 : i32
        %dma_start3A_22 = tpu.memref_slice %arg10[%dma_start3A, %dma_start3A_21] : memref<10112x128xf32, #tpu.memory_space<vmem_shared>> -> memref<10112x128xf32, #tpu.memory_space<vmem_shared>>
        tpu.enqueue_indirect_dma source(%arg9 : memref<128x128xf32, #tpu.memory_space<vmem>>) target(%dma_start3A_22 : memref<10112x128xf32, #tpu.memory_space<vmem_shared>>) offsets(%arg8 : memref<128xi32, #tpu.memory_space<vmem>>) semaphore(%run_scoped3A : memref<!tpu.dma_semaphore, #tpu.memory_space<semaphore_mem>>) {add = true}
        %dma_wait3A = arith.constant 0 : i32
        %dma_wait3A_23 = arith.constant 0 : i32
        %dma_wait3A_24 = tpu.memref_slice %arg10[%dma_wait3A, %dma_wait3A_23] : memref<10112x128xf32, #tpu.memory_space<vmem_shared>> -> memref<10112x128xf32, #tpu.memory_space<vmem_shared>>
        tpu.wait_indirect_dma semaphore(%run_scoped3A : memref<!tpu.dma_semaphore, #tpu.memory_space<semaphore_mem>>) src(%arg9 : memref<128x128xf32, #tpu.memory_space<vmem>>) dst(%dma_wait3A_24 : memref<10112x128xf32, #tpu.memory_space<vmem_shared>>)
        tpu.yield
      }) : () -> ()
    }
    %scan3A_8 = arith.constant 79 : i32
    %barrier3A_9 = arith.constant 0 : index
    tpu.barrier barrier_id(%barrier3A_9)
    %mul3A_10 = arith.constant 10112 : i32
    %mul3A_11 = arith.muli %arg0, %mul3A_10 : i32
    %add3A_12 = arith.addi %mul3A_11, %mul3A_2 : i32
    "tpu.region"() ({
      %run_scoped3A = tpu.sem_alloc : memref<!tpu.dma_semaphore, #tpu.memory_space<semaphore_mem>>
      %dma_start3A = arith.constant 0 : i32
      %dma_start3A_13 = tpu.memref_slice %arg6[%add3A_12, %dma_start3A] : memref<20224x128xf32, #tpu.memory_space<hbm>> -> memref<632x128xf32, #tpu.memory_space<hbm>>
      %dma_start3A_14 = arith.constant 0 : i32
      %dma_start3A_15 = tpu.memref_slice %arg10[%mul3A_2, %dma_start3A_14] : memref<10112x128xf32, #tpu.memory_space<vmem_shared>> -> memref<632x128xf32, #tpu.memory_space<vmem_shared>>
      tpu.enqueue_dma source(%dma_start3A_15 : memref<632x128xf32, #tpu.memory_space<vmem_shared>>) target(%dma_start3A_13 : memref<632x128xf32, #tpu.memory_space<hbm>>) target_semaphore(%run_scoped3A : memref<!tpu.dma_semaphore, #tpu.memory_space<semaphore_mem>>)
      %dma_wait3A = arith.constant 0 : i32
      %dma_wait3A_16 = tpu.memref_slice %arg6[%add3A_12, %dma_wait3A] : memref<20224x128xf32, #tpu.memory_space<hbm>> -> memref<632x128xf32, #tpu.memory_space<hbm>>
      %dma_wait3A_17 = arith.constant 0 : i32
      %dma_wait3A_18 = tpu.memref_slice %arg10[%mul3A_2, %dma_wait3A_17] : memref<10112x128xf32, #tpu.memory_space<vmem_shared>> -> memref<632x128xf32, #tpu.memory_space<vmem_shared>>
      tpu.wait_dma2 semaphore(%run_scoped3A : memref<!tpu.dma_semaphore, #tpu.memory_space<semaphore_mem>>) src(%dma_wait3A_18 : memref<632x128xf32, #tpu.memory_space<vmem_shared>>) dst(%dma_wait3A_16 : memref<632x128xf32, #tpu.memory_space<hbm>>)
      tpu.yield
    }) : () -> ()
    return
  }
}

#map = affine_map<(d0, d1) -> (0)>
#map1 = affine_map<(d0, d1) -> (0, 0)>
module attributes {stable_mosaic.version = 14 : i64} {
  func.func @sc_pass(%arg0: i32, %arg1: i32, %arg2: memref<323584xi32, #tpu.memory_space<hbm>>, %arg3: memref<323584xi32, #tpu.memory_space<hbm>>, %arg4: memref<10000x128xf32, #tpu.memory_space<hbm>>, %arg5: memref<10112x128xf32, #tpu.memory_space<hbm>>, %arg6: memref<20224x128xf32, #tpu.memory_space<hbm>>, %arg7: memref<323584xf32, #tpu.memory_space<hbm>>, %arg8: memref<128xi32, #tpu.memory_space<vmem>>, %arg9: memref<128xi32, #tpu.memory_space<vmem>>, %arg10: memref<128x128xf32, #tpu.memory_space<vmem>>, %arg11: memref<10112x128xf32, #tpu.memory_space<vmem_shared>>, %arg12: memref<10112xf32, #tpu.memory_space<vmem>>) attributes {dimension_semantics = [#tpu.dimension_semantics<core_parallel>, #tpu.dimension_semantics<subcore_parallel>], iteration_bounds = array<i64: 2, 16>, scalar_prefetch = 0 : i64, scratch_operands = 5 : i64, tpu.core_type = #tpu.core_type<sc_vector_subcore>, window_params = [{transform_indices = #map}, {transform_indices = #map}, {transform_indices = #map1}, {transform_indices = #map1}, {transform_indices = #map1}, {transform_indices = #map}]} {
    %mul3A = arith.constant 2 : i32
    %mul3A_0 = arith.muli %arg1, %mul3A : i32
    %add3A = arith.addi %mul3A_0, %arg0 : i32
    %mul3A_1 = arith.constant 632 : i32
    %mul3A_2 = arith.muli %arg1, %mul3A_1 : i32
    "tpu.region"() ({
      %run_scoped3A = tpu.sem_alloc : memref<!tpu.dma_semaphore, #tpu.memory_space<semaphore_mem>>
      %dma_start3A = arith.constant 0 : i32
      %dma_start3A_20 = tpu.memref_slice %arg11[%mul3A_2, %dma_start3A] : memref<10112x128xf32, #tpu.memory_space<vmem_shared>> -> memref<632x128xf32, #tpu.memory_space<vmem_shared>>
      %dma_start3A_21 = arith.constant 0 : i32
      %dma_start3A_22 = tpu.memref_slice %arg5[%mul3A_2, %dma_start3A_21] : memref<10112x128xf32, #tpu.memory_space<hbm>> -> memref<632x128xf32, #tpu.memory_space<hbm>>
      tpu.enqueue_dma source(%dma_start3A_22 : memref<632x128xf32, #tpu.memory_space<hbm>>) target(%dma_start3A_20 : memref<632x128xf32, #tpu.memory_space<vmem_shared>>) target_semaphore(%run_scoped3A : memref<!tpu.dma_semaphore, #tpu.memory_space<semaphore_mem>>)
      %dma_wait3A = arith.constant 0 : i32
      %dma_wait3A_23 = tpu.memref_slice %arg11[%mul3A_2, %dma_wait3A] : memref<10112x128xf32, #tpu.memory_space<vmem_shared>> -> memref<632x128xf32, #tpu.memory_space<vmem_shared>>
      %dma_wait3A_24 = arith.constant 0 : i32
      %dma_wait3A_25 = tpu.memref_slice %arg5[%mul3A_2, %dma_wait3A_24] : memref<10112x128xf32, #tpu.memory_space<hbm>> -> memref<632x128xf32, #tpu.memory_space<hbm>>
      tpu.wait_dma2 semaphore(%run_scoped3A : memref<!tpu.dma_semaphore, #tpu.memory_space<semaphore_mem>>) src(%dma_wait3A_25 : memref<632x128xf32, #tpu.memory_space<hbm>>) dst(%dma_wait3A_23 : memref<632x128xf32, #tpu.memory_space<vmem_shared>>)
      tpu.yield
    }) : () -> ()
    %scan3A = arith.constant 0 : i32
    %scan3A_3 = arith.constant 632 : i32
    %scan3A_4 = arith.addi %scan3A, %scan3A_3 : i32
    %scan3A_5 = arith.constant 1 : i32
    scf.for %scan3A_20 = %scan3A to %scan3A_4 step %scan3A_5  : i32 {
      %mul3A_21 = arith.constant 1 : i32
      %mul3A_22 = arith.muli %scan3A_20, %mul3A_21 : i32
      %add3A_23 = arith.constant 0 : i32
      %add3A_24 = arith.addi %add3A_23, %mul3A_22 : i32
      %broadcast_in_dim3A = arith.constant 0.000000e+00 : f32
      %broadcast_in_dim3A_25 = vector.broadcast %broadcast_in_dim3A : f32 to vector<16xf32>
      %mul3A_26 = arith.constant 16 : i32
      %mul3A_27 = arith.muli %add3A_24, %mul3A_26 : i32
      %swap3A = arith.index_cast %mul3A_27 : i32 to index
      %swap3A_28 = tpu.vector_load %arg12[%swap3A] {strides = array<i32>} : memref<10112xf32, #tpu.memory_space<vmem>>, vector<16xf32>,
      tpu.vector_store %arg12[%swap3A], %broadcast_in_dim3A_25 {strides = array<i32>} : memref<10112xf32, #tpu.memory_space<vmem>>, vector<16xf32>,
    }
    %scan3A_6 = arith.constant 632 : i32
    %barrier3A = arith.constant 0 : index
    tpu.barrier barrier_id(%barrier3A)
    %mul3A_7 = arith.constant 10112 : i32
    %mul3A_8 = arith.muli %add3A, %mul3A_7 : i32
    %scan3A_9 = arith.constant 0 : i32
    %scan3A_10 = arith.constant 79 : i32
    %scan3A_11 = arith.addi %scan3A_9, %scan3A_10 : i32
    %scan3A_12 = arith.constant 1 : i32
    scf.for %scan3A_20 = %scan3A_9 to %scan3A_11 step %scan3A_12  : i32 {
      %mul3A_21 = arith.constant 1 : i32
      %mul3A_22 = arith.muli %scan3A_20, %mul3A_21 : i32
      %add3A_23 = arith.constant 0 : i32
      %add3A_24 = arith.addi %add3A_23, %mul3A_22 : i32
      %mul3A_25 = arith.constant 128 : i32
      %mul3A_26 = arith.muli %add3A_24, %mul3A_25 : i32
      %add3A_27 = arith.addi %mul3A_8, %mul3A_26 : i32
      "tpu.region"() ({
        %run_scoped3A = tpu.sem_alloc : memref<!tpu.dma_semaphore, #tpu.memory_space<semaphore_mem>>
        %dma_start3A = tpu.memref_slice %arg2[%add3A_27] : memref<323584xi32, #tpu.memory_space<hbm>> -> memref<128xi32, #tpu.memory_space<hbm>>
        %dma_start3A_33 = tpu.memref_slice %arg2[%add3A_27] : memref<323584xi32, #tpu.memory_space<hbm>> -> memref<128xi32, #tpu.memory_space<hbm>>
        tpu.enqueue_dma source(%dma_start3A_33 : memref<128xi32, #tpu.memory_space<hbm>>) target(%arg8 : memref<128xi32, #tpu.memory_space<vmem>>) target_semaphore(%run_scoped3A : memref<!tpu.dma_semaphore, #tpu.memory_space<semaphore_mem>>)
        %dma_wait3A = tpu.memref_slice %arg2[%add3A_27] : memref<323584xi32, #tpu.memory_space<hbm>> -> memref<128xi32, #tpu.memory_space<hbm>>
        %dma_wait3A_34 = tpu.memref_slice %arg2[%add3A_27] : memref<323584xi32, #tpu.memory_space<hbm>> -> memref<128xi32, #tpu.memory_space<hbm>>
        tpu.wait_dma2 semaphore(%run_scoped3A : memref<!tpu.dma_semaphore, #tpu.memory_space<semaphore_mem>>) src(%dma_wait3A_34 : memref<128xi32, #tpu.memory_space<hbm>>) dst(%arg8 : memref<128xi32, #tpu.memory_space<vmem>>)
        tpu.yield
      }) : () -> ()
      "tpu.region"() ({
        %run_scoped3A = tpu.sem_alloc : memref<!tpu.dma_semaphore, #tpu.memory_space<semaphore_mem>>
        %dma_start3A = tpu.memref_slice %arg3[%add3A_27] : memref<323584xi32, #tpu.memory_space<hbm>> -> memref<128xi32, #tpu.memory_space<hbm>>
        %dma_start3A_33 = tpu.memref_slice %arg3[%add3A_27] : memref<323584xi32, #tpu.memory_space<hbm>> -> memref<128xi32, #tpu.memory_space<hbm>>
        tpu.enqueue_dma source(%dma_start3A_33 : memref<128xi32, #tpu.memory_space<hbm>>) target(%arg9 : memref<128xi32, #tpu.memory_space<vmem>>) target_semaphore(%run_scoped3A : memref<!tpu.dma_semaphore, #tpu.memory_space<semaphore_mem>>)
        %dma_wait3A = tpu.memref_slice %arg3[%add3A_27] : memref<323584xi32, #tpu.memory_space<hbm>> -> memref<128xi32, #tpu.memory_space<hbm>>
        %dma_wait3A_34 = tpu.memref_slice %arg3[%add3A_27] : memref<323584xi32, #tpu.memory_space<hbm>> -> memref<128xi32, #tpu.memory_space<hbm>>
        tpu.wait_dma2 semaphore(%run_scoped3A : memref<!tpu.dma_semaphore, #tpu.memory_space<semaphore_mem>>) src(%dma_wait3A_34 : memref<128xi32, #tpu.memory_space<hbm>>) dst(%arg9 : memref<128xi32, #tpu.memory_space<vmem>>)
        tpu.yield
      }) : () -> ()
      "tpu.region"() ({
        %run_scoped3A = tpu.sem_alloc : memref<!tpu.dma_semaphore, #tpu.memory_space<semaphore_mem>>
        %dma_start3A = arith.constant 0 : i32
        %dma_start3A_33 = arith.constant 0 : i32
        %dma_start3A_34 = tpu.memref_slice %arg4[%dma_start3A, %dma_start3A_33] : memref<10000x128xf32, #tpu.memory_space<hbm>> -> memref<10000x128xf32, #tpu.memory_space<hbm>>
        tpu.enqueue_indirect_dma source(%dma_start3A_34 : memref<10000x128xf32, #tpu.memory_space<hbm>>) target(%arg10 : memref<128x128xf32, #tpu.memory_space<vmem>>) offsets(%arg8 : memref<128xi32, #tpu.memory_space<vmem>>) semaphore(%run_scoped3A : memref<!tpu.dma_semaphore, #tpu.memory_space<semaphore_mem>>)
        %dma_wait3A = arith.constant 0 : i32
        %dma_wait3A_35 = arith.constant 0 : i32
        %dma_wait3A_36 = tpu.memref_slice %arg4[%dma_wait3A, %dma_wait3A_35] : memref<10000x128xf32, #tpu.memory_space<hbm>> -> memref<10000x128xf32, #tpu.memory_space<hbm>>
        tpu.wait_indirect_dma semaphore(%run_scoped3A : memref<!tpu.dma_semaphore, #tpu.memory_space<semaphore_mem>>) src(%dma_wait3A_36 : memref<10000x128xf32, #tpu.memory_space<hbm>>) dst(%arg10 : memref<128x128xf32, #tpu.memory_space<vmem>>)
        tpu.yield
      }) : () -> ()
      "tpu.region"() ({
        %run_scoped3A = tpu.sem_alloc : memref<!tpu.dma_semaphore, #tpu.memory_space<semaphore_mem>>
        %dma_start3A = arith.constant 0 : i32
        %dma_start3A_33 = arith.constant 0 : i32
        %dma_start3A_34 = tpu.memref_slice %arg11[%dma_start3A, %dma_start3A_33] : memref<10112x128xf32, #tpu.memory_space<vmem_shared>> -> memref<10112x128xf32, #tpu.memory_space<vmem_shared>>
        tpu.enqueue_indirect_dma source(%arg10 : memref<128x128xf32, #tpu.memory_space<vmem>>) target(%dma_start3A_34 : memref<10112x128xf32, #tpu.memory_space<vmem_shared>>) offsets(%arg9 : memref<128xi32, #tpu.memory_space<vmem>>) semaphore(%run_scoped3A : memref<!tpu.dma_semaphore, #tpu.memory_space<semaphore_mem>>) {add = true}
        %dma_wait3A = arith.constant 0 : i32
        %dma_wait3A_35 = arith.constant 0 : i32
        %dma_wait3A_36 = tpu.memref_slice %arg11[%dma_wait3A, %dma_wait3A_35] : memref<10112x128xf32, #tpu.memory_space<vmem_shared>> -> memref<10112x128xf32, #tpu.memory_space<vmem_shared>>
        tpu.wait_indirect_dma semaphore(%run_scoped3A : memref<!tpu.dma_semaphore, #tpu.memory_space<semaphore_mem>>) src(%arg10 : memref<128x128xf32, #tpu.memory_space<vmem>>) dst(%dma_wait3A_36 : memref<10112x128xf32, #tpu.memory_space<vmem_shared>>)
        tpu.yield
      }) : () -> ()
      %scan3A_28 = arith.constant 0 : i32
      %scan3A_29 = arith.constant 8 : i32
      %scan3A_30 = arith.addi %scan3A_28, %scan3A_29 : i32
      %scan3A_31 = arith.constant 1 : i32
      scf.for %scan3A_33 = %scan3A_28 to %scan3A_30 step %scan3A_31  : i32 {
        %mul3A_34 = arith.constant 1 : i32
        %mul3A_35 = arith.muli %scan3A_33, %mul3A_34 : i32
        %add3A_36 = arith.constant 0 : i32
        %add3A_37 = arith.addi %add3A_36, %mul3A_35 : i32
        %mul3A_38 = arith.constant 16 : i32
        %mul3A_39 = arith.muli %add3A_37, %mul3A_38 : i32
        %get3A = arith.index_cast %mul3A_39 : i32 to index
        %get3A_40 = tpu.vector_load %arg9[%get3A] {strides = array<i32>} : memref<128xi32, #tpu.memory_space<vmem>>, vector<16xi32>,
        %broadcast_in_dim3A = arith.constant 1.000000e+00 : f32
        %broadcast_in_dim3A_41 = vector.broadcast %broadcast_in_dim3A : f32 to vector<16xf32>
        tpu.vector_store_idx %arg12[%get3A_40], %broadcast_in_dim3A_41 {add = true} : memref<10112xf32, #tpu.memory_space<vmem>>[vector<16xi32>], vector<16xf32>,
      }
      %scan3A_32 = arith.constant 8 : i32
    }
    %scan3A_13 = arith.constant 79 : i32
    %barrier3A_14 = arith.constant 0 : index
    tpu.barrier barrier_id(%barrier3A_14)
    %mul3A_15 = arith.constant 10112 : i32
    %mul3A_16 = arith.muli %arg0, %mul3A_15 : i32
    %add3A_17 = arith.addi %mul3A_16, %mul3A_2 : i32
    "tpu.region"() ({
      %run_scoped3A = tpu.sem_alloc : memref<!tpu.dma_semaphore, #tpu.memory_space<semaphore_mem>>
      %dma_start3A = arith.constant 0 : i32
      %dma_start3A_20 = tpu.memref_slice %arg6[%add3A_17, %dma_start3A] : memref<20224x128xf32, #tpu.memory_space<hbm>> -> memref<632x128xf32, #tpu.memory_space<hbm>>
      %dma_start3A_21 = arith.constant 0 : i32
      %dma_start3A_22 = tpu.memref_slice %arg11[%mul3A_2, %dma_start3A_21] : memref<10112x128xf32, #tpu.memory_space<vmem_shared>> -> memref<632x128xf32, #tpu.memory_space<vmem_shared>>
      tpu.enqueue_dma source(%dma_start3A_22 : memref<632x128xf32, #tpu.memory_space<vmem_shared>>) target(%dma_start3A_20 : memref<632x128xf32, #tpu.memory_space<hbm>>) target_semaphore(%run_scoped3A : memref<!tpu.dma_semaphore, #tpu.memory_space<semaphore_mem>>)
      %dma_wait3A = arith.constant 0 : i32
      %dma_wait3A_23 = tpu.memref_slice %arg6[%add3A_17, %dma_wait3A] : memref<20224x128xf32, #tpu.memory_space<hbm>> -> memref<632x128xf32, #tpu.memory_space<hbm>>
      %dma_wait3A_24 = arith.constant 0 : i32
      %dma_wait3A_25 = tpu.memref_slice %arg11[%mul3A_2, %dma_wait3A_24] : memref<10112x128xf32, #tpu.memory_space<vmem_shared>> -> memref<632x128xf32, #tpu.memory_space<vmem_shared>>
      tpu.wait_dma2 semaphore(%run_scoped3A : memref<!tpu.dma_semaphore, #tpu.memory_space<semaphore_mem>>) src(%dma_wait3A_25 : memref<632x128xf32, #tpu.memory_space<vmem_shared>>) dst(%dma_wait3A_23 : memref<632x128xf32, #tpu.memory_space<hbm>>)
      tpu.yield
    }) : () -> ()
    %mul3A_18 = arith.constant 10112 : i32
    %mul3A_19 = arith.muli %add3A, %mul3A_18 : i32
    "tpu.region"() ({
      %run_scoped3A = tpu.sem_alloc : memref<!tpu.dma_semaphore, #tpu.memory_space<semaphore_mem>>
      %dma_start3A = tpu.memref_slice %arg7[%mul3A_19] : memref<323584xf32, #tpu.memory_space<hbm>> -> memref<10112xf32, #tpu.memory_space<hbm>>
      %dma_start3A_20 = tpu.memref_slice %arg7[%mul3A_19] : memref<323584xf32, #tpu.memory_space<hbm>> -> memref<10112xf32, #tpu.memory_space<hbm>>
      tpu.enqueue_dma source(%arg12 : memref<10112xf32, #tpu.memory_space<vmem>>) target(%dma_start3A_20 : memref<10112xf32, #tpu.memory_space<hbm>>) target_semaphore(%run_scoped3A : memref<!tpu.dma_semaphore, #tpu.memory_space<semaphore_mem>>)
      %dma_wait3A = tpu.memref_slice %arg7[%mul3A_19] : memref<323584xf32, #tpu.memory_space<hbm>> -> memref<10112xf32, #tpu.memory_space<hbm>>
      %dma_wait3A_21 = tpu.memref_slice %arg7[%mul3A_19] : memref<323584xf32, #tpu.memory_space<hbm>> -> memref<10112xf32, #tpu.memory_space<hbm>>
      tpu.wait_dma2 semaphore(%run_scoped3A : memref<!tpu.dma_semaphore, #tpu.memory_space<semaphore_mem>>) src(%arg12 : memref<10112xf32, #tpu.memory_space<vmem>>) dst(%dma_wait3A_21 : memref<10112xf32, #tpu.memory_space<hbm>>)
      tpu.yield
    }) : () -> ()
    return
  }
}

module attributes {stable_mosaic.version = 14 : i64} {
  func.func @body(%arg0: i32, %arg1: memref<1x2000x128xf32, #tpu.memory_space<vmem>>, %arg2: memref<1x2000x128xf32, #tpu.memory_space<vmem>>, %arg3: memref<2000x32xf32, #tpu.memory_space<vmem>>, %arg4: memref<2000x128xf32, #tpu.memory_space<vmem>>, %arg5: memref<128x128xf32, #tpu.memory_space<vmem>>, %arg6: memref<128x128xf32, #tpu.memory_space<vmem>>, %arg7: memref<1x128xf32, #tpu.memory_space<vmem>>, %arg8: memref<2000x128xf32, #tpu.memory_space<vmem>>, %arg9: memref<2000x1xf32, #tpu.memory_space<vmem>>) attributes {dimension_semantics = [#tpu.dimension_semantics<arbitrary>], iteration_bounds = array<i64: 5>, scalar_prefetch = 0 : i64, scratch_operands = 0 : i64, tpu.core_type = #tpu.core_type<tc>, window_params = [{transform_indices = @transform_0, window_bounds = array<i64: 1, 2000, 128>}, {transform_indices = @transform_1, window_bounds = array<i64: 1, 2000, 128>}, {transform_indices = @transform_2, window_bounds = array<i64: 2000, 32>}, {transform_indices = @transform_3, window_bounds = array<i64: 2000, 128>}, {pipeline_mode = #tpu.pipeline_mode<synchronous>, transform_indices = @transform_4, window_bounds = array<i64: 128, 128>}, {pipeline_mode = #tpu.pipeline_mode<synchronous>, transform_indices = @transform_5, window_bounds = array<i64: 128, 128>}, {pipeline_mode = #tpu.pipeline_mode<synchronous>, transform_indices = @transform_6, window_bounds = array<i64: 1, 128>}, {transform_indices = @transform_7, window_bounds = array<i64: 2000, 128>}, {transform_indices = @transform_8, window_bounds = array<i64: 2000, 1>}]} {
    %get3A = arith.constant 0 : index
    %get3A_0 = arith.constant 0 : index
    %get3A_1 = vector.load %arg3[%get3A, %get3A_0] : memref<2000x32xf32, #tpu.memory_space<vmem>>, vector<2000x32xf32>
    %reduce_sum3A = arith.constant dense<0.000000e+00> : vector<2000xf32>
    %reduce_sum3A_2 = vector.multi_reduction <add>, %get3A_1, %reduce_sum3A [1] : vector<2000x32xf32> to vector<2000xf32>
    %broadcast_in_dim3A = vector.shape_cast %reduce_sum3A_2 : vector<2000xf32> to vector<2000x1xf32>
    %max3A = arith.constant 1.000000e+00 : f32
    %max3A_3 = vector.broadcast %max3A : f32 to vector<2000x1xf32>
    %max3A_4 = arith.maximumf %broadcast_in_dim3A, %max3A_3 : vector<2000x1xf32>
    %get3A_5 = arith.constant 0 : index
    %get3A_6 = arith.constant 0 : index
    %get3A_7 = arith.constant 0 : index
    %get3A_8 = vector.load %arg1[%get3A_5, %get3A_6, %get3A_7] : memref<1x2000x128xf32, #tpu.memory_space<vmem>>, vector<1x2000x128xf32>
    %get3A_9 = vector.shape_cast %get3A_8 : vector<1x2000x128xf32> to vector<2000x128xf32>
    %get3A_10 = arith.constant 0 : index
    %get3A_11 = arith.constant 0 : index
    %get3A_12 = arith.constant 0 : index
    %get3A_13 = vector.load %arg2[%get3A_10, %get3A_11, %get3A_12] : memref<1x2000x128xf32, #tpu.memory_space<vmem>>, vector<1x2000x128xf32>
    %get3A_14 = vector.shape_cast %get3A_13 : vector<1x2000x128xf32> to vector<2000x128xf32>
    %add3A = arith.addf %get3A_9, %get3A_14 : vector<2000x128xf32>
    %div3A = vector.broadcast %max3A_4 : vector<2000x1xf32> to vector<2000x128xf32>
    %div3A_15 = arith.divf %add3A, %div3A : vector<2000x128xf32>
    %get3A_16 = arith.constant 0 : index
    %get3A_17 = arith.constant 0 : index
    %get3A_18 = vector.load %arg5[%get3A_16, %get3A_17] : memref<128x128xf32, #tpu.memory_space<vmem>>, vector<128x128xf32>
    %dot_general3A = arith.constant dense<0.000000e+00> : vector<2000x128xf32>
    %dot_general3A_19 = tpu.matmul %div3A_15, %get3A_18, %dot_general3A {dimension_numbers = #tpu.dot_dimension_numbers<[1], [0], [0], [1], [0, 0, 1, 1], [], []>, precision = #tpu.contract_precision<fp32>, transpose_lhs_hint = false} : vector<2000x128xf32>, vector<128x128xf32>, vector<2000x128xf32> -> vector<2000x128xf32>
    %get3A_20 = arith.constant 0 : index
    %get3A_21 = arith.constant 0 : index
    %get3A_22 = vector.load %arg7[%get3A_20, %get3A_21] : memref<1x128xf32, #tpu.memory_space<vmem>>, vector<1x128xf32>
    %add3A_23 = vector.broadcast %get3A_22 : vector<1x128xf32> to vector<2000x128xf32>
    %add3A_24 = arith.addf %dot_general3A_19, %add3A_23 : vector<2000x128xf32>
    %get3A_25 = arith.constant 0 : index
    %get3A_26 = arith.constant 0 : index
    %get3A_27 = vector.load %arg4[%get3A_25, %get3A_26] : memref<2000x128xf32, #tpu.memory_space<vmem>>, vector<2000x128xf32>
    %get3A_28 = arith.constant 0 : index
    %get3A_29 = arith.constant 0 : index
    %get3A_30 = vector.load %arg6[%get3A_28, %get3A_29] : memref<128x128xf32, #tpu.memory_space<vmem>>, vector<128x128xf32>
    %dot_general3A_31 = arith.constant dense<0.000000e+00> : vector<2000x128xf32>
    %dot_general3A_32 = tpu.matmul %get3A_27, %get3A_30, %dot_general3A_31 {dimension_numbers = #tpu.dot_dimension_numbers<[1], [0], [0], [1], [0, 0, 1, 1], [], []>, precision = #tpu.contract_precision<fp32>, transpose_lhs_hint = false} : vector<2000x128xf32>, vector<128x128xf32>, vector<2000x128xf32> -> vector<2000x128xf32>
    %add3A_33 = arith.addf %add3A_24, %dot_general3A_32 : vector<2000x128xf32>
    %max3A_34 = arith.constant 0.000000e+00 : f32
    %max3A_35 = vector.broadcast %max3A_34 : f32 to vector<2000x128xf32>
    %max3A_36 = arith.maximumf %add3A_33, %max3A_35 : vector<2000x128xf32>
    %swap3A = arith.constant 0 : index
    %swap3A_37 = arith.constant 0 : index
    %swap3A_38 = vector.load %arg8[%swap3A, %swap3A_37] : memref<2000x128xf32, #tpu.memory_space<vmem>>, vector<2000x128xf32>
    tpu.vector_store %arg8[%swap3A, %swap3A_37], %max3A_36 {strides = array<i32>} : memref<2000x128xf32, #tpu.memory_space<vmem>>, vector<2000x128xf32>,
    %swap3A_39 = arith.constant 0 : index
    %swap3A_40 = arith.constant 0 : index
    %swap3A_41 = vector.load %arg9[%swap3A_39, %swap3A_40] : memref<2000x1xf32, #tpu.memory_space<vmem>>, vector<2000x1xf32>
    tpu.vector_store %arg9[%swap3A_39, %swap3A_40], %max3A_4 {strides = array<i32>} : memref<2000x1xf32, #tpu.memory_space<vmem>>, vector<2000x1xf32>,
    return
  }
  func.func @transform_0(%arg0: i32) -> (i32, i32, i32) {
    %c0_i32 = arith.constant 0 : i32
    %c0_i32_0 = arith.constant 0 : i32
    %c0_i32_1 = arith.constant 0 : i32
    return %c0_i32, %arg0, %c0_i32_0 : i32, i32, i32
  }
  func.func @transform_1(%arg0: i32) -> (i32, i32, i32) {
    %c1_i32 = arith.constant 1 : i32
    %c0_i32 = arith.constant 0 : i32
    %c0_i32_0 = arith.constant 0 : i32
    return %c1_i32, %arg0, %c0_i32 : i32, i32, i32
  }
  func.func @transform_2(%arg0: i32) -> (i32, i32) {
    %c0_i32 = arith.constant 0 : i32
    %c0_i32_0 = arith.constant 0 : i32
    return %arg0, %c0_i32 : i32, i32
  }
  func.func @transform_3(%arg0: i32) -> (i32, i32) {
    %c0_i32 = arith.constant 0 : i32
    %c0_i32_0 = arith.constant 0 : i32
    return %arg0, %c0_i32 : i32, i32
  }
  func.func @transform_4(%arg0: i32) -> (i32, i32) {
    %c0_i32 = arith.constant 0 : i32
    %c0_i32_0 = arith.constant 0 : i32
    %c0_i32_1 = arith.constant 0 : i32
    return %c0_i32, %c0_i32_0 : i32, i32
  }
  func.func @transform_5(%arg0: i32) -> (i32, i32) {
    %c0_i32 = arith.constant 0 : i32
    %c0_i32_0 = arith.constant 0 : i32
    %c0_i32_1 = arith.constant 0 : i32
    return %c0_i32, %c0_i32_0 : i32, i32
  }
  func.func @transform_6(%arg0: i32) -> (i32, i32) {
    %c0_i32 = arith.constant 0 : i32
    %c0_i32_0 = arith.constant 0 : i32
    %c0_i32_1 = arith.constant 0 : i32
    return %c0_i32, %c0_i32_0 : i32, i32
  }
  func.func @transform_7(%arg0: i32) -> (i32, i32) {
    %c0_i32 = arith.constant 0 : i32
    %c0_i32_0 = arith.constant 0 : i32
    return %arg0, %c0_i32 : i32, i32
  }
  func.func @transform_8(%arg0: i32) -> (i32, i32) {
    %c0_i32 = arith.constant 0 : i32
    %c0_i32_0 = arith.constant 0 : i32
    return %arg0, %c0_i32 : i32, i32
  }
}

module attributes {stable_mosaic.version = 14 : i64} {
  func.func @body(%arg0: i32, %arg1: memref<1x2000x128xf32, #tpu.memory_space<vmem>>, %arg2: memref<1x2000x128xf32, #tpu.memory_space<vmem>>, %arg3: memref<2000x1xf32, #tpu.memory_space<vmem>>, %arg4: memref<2000x128xf32, #tpu.memory_space<vmem>>, %arg5: memref<128x128xf32, #tpu.memory_space<vmem>>, %arg6: memref<128x128xf32, #tpu.memory_space<vmem>>, %arg7: memref<1x128xf32, #tpu.memory_space<vmem>>, %arg8: memref<128x64xf32, #tpu.memory_space<vmem>>, %arg9: memref<1x64xf32, #tpu.memory_space<vmem>>, %arg10: memref<64x64xf32, #tpu.memory_space<vmem>>, %arg11: memref<1x64xf32, #tpu.memory_space<vmem>>, %arg12: memref<2000x64xf32, #tpu.memory_space<vmem>>) attributes {dimension_semantics = [#tpu.dimension_semantics<arbitrary>], iteration_bounds = array<i64: 5>, scalar_prefetch = 0 : i64, scratch_operands = 0 : i64, tpu.core_type = #tpu.core_type<tc>, window_params = [{transform_indices = @transform_0, window_bounds = array<i64: 1, 2000, 128>}, {transform_indices = @transform_1, window_bounds = array<i64: 1, 2000, 128>}, {transform_indices = @transform_2, window_bounds = array<i64: 2000, 1>}, {transform_indices = @transform_3, window_bounds = array<i64: 2000, 128>}, {pipeline_mode = #tpu.pipeline_mode<synchronous>, transform_indices = @transform_4, window_bounds = array<i64: 128, 128>}, {pipeline_mode = #tpu.pipeline_mode<synchronous>, transform_indices = @transform_5, window_bounds = array<i64: 128, 128>}, {pipeline_mode = #tpu.pipeline_mode<synchronous>, transform_indices = @transform_6, window_bounds = array<i64: 1, 128>}, {pipeline_mode = #tpu.pipeline_mode<synchronous>, transform_indices = @transform_7, window_bounds = array<i64: 128, 64>}, {pipeline_mode = #tpu.pipeline_mode<synchronous>, transform_indices = @transform_8, window_bounds = array<i64: 1, 64>}, {pipeline_mode = #tpu.pipeline_mode<synchronous>, transform_indices = @transform_9, window_bounds = array<i64: 64, 64>}, {pipeline_mode = #tpu.pipeline_mode<synchronous>, transform_indices = @transform_10, window_bounds = array<i64: 1, 64>}, {transform_indices = @transform_11, window_bounds = array<i64: 2000, 64>}]} {
    %get3A = arith.constant 0 : index
    %get3A_0 = arith.constant 0 : index
    %get3A_1 = arith.constant 0 : index
    %get3A_2 = vector.load %arg1[%get3A, %get3A_0, %get3A_1] : memref<1x2000x128xf32, #tpu.memory_space<vmem>>, vector<1x2000x128xf32>
    %get3A_3 = vector.shape_cast %get3A_2 : vector<1x2000x128xf32> to vector<2000x128xf32>
    %get3A_4 = arith.constant 0 : index
    %get3A_5 = arith.constant 0 : index
    %get3A_6 = arith.constant 0 : index
    %get3A_7 = vector.load %arg2[%get3A_4, %get3A_5, %get3A_6] : memref<1x2000x128xf32, #tpu.memory_space<vmem>>, vector<1x2000x128xf32>
    %get3A_8 = vector.shape_cast %get3A_7 : vector<1x2000x128xf32> to vector<2000x128xf32>
    %add3A = arith.addf %get3A_3, %get3A_8 : vector<2000x128xf32>
    %get3A_9 = arith.constant 0 : index
    %get3A_10 = arith.constant 0 : index
    %get3A_11 = vector.load %arg3[%get3A_9, %get3A_10] : memref<2000x1xf32, #tpu.memory_space<vmem>>, vector<2000x1xf32>
    %div3A = vector.broadcast %get3A_11 : vector<2000x1xf32> to vector<2000x128xf32>
    %div3A_12 = arith.divf %add3A, %div3A : vector<2000x128xf32>
    %get3A_13 = arith.constant 0 : index
    %get3A_14 = arith.constant 0 : index
    %get3A_15 = vector.load %arg5[%get3A_13, %get3A_14] : memref<128x128xf32, #tpu.memory_space<vmem>>, vector<128x128xf32>
    %dot_general3A = arith.constant dense<0.000000e+00> : vector<2000x128xf32>
    %dot_general3A_16 = tpu.matmul %div3A_12, %get3A_15, %dot_general3A {dimension_numbers = #tpu.dot_dimension_numbers<[1], [0], [0], [1], [0, 0, 1, 1], [], []>, precision = #tpu.contract_precision<fp32>, transpose_lhs_hint = false} : vector<2000x128xf32>, vector<128x128xf32>, vector<2000x128xf32> -> vector<2000x128xf32>
    %get3A_17 = arith.constant 0 : index
    %get3A_18 = arith.constant 0 : index
    %get3A_19 = vector.load %arg7[%get3A_17, %get3A_18] : memref<1x128xf32, #tpu.memory_space<vmem>>, vector<1x128xf32>
    %add3A_20 = vector.broadcast %get3A_19 : vector<1x128xf32> to vector<2000x128xf32>
    %add3A_21 = arith.addf %dot_general3A_16, %add3A_20 : vector<2000x128xf32>
    %get3A_22 = arith.constant 0 : index
    %get3A_23 = arith.constant 0 : index
    %get3A_24 = vector.load %arg4[%get3A_22, %get3A_23] : memref<2000x128xf32, #tpu.memory_space<vmem>>, vector<2000x128xf32>
    %get3A_25 = arith.constant 0 : index
    %get3A_26 = arith.constant 0 : index
    %get3A_27 = vector.load %arg6[%get3A_25, %get3A_26] : memref<128x128xf32, #tpu.memory_space<vmem>>, vector<128x128xf32>
    %dot_general3A_28 = arith.constant dense<0.000000e+00> : vector<2000x128xf32>
    %dot_general3A_29 = tpu.matmul %get3A_24, %get3A_27, %dot_general3A_28 {dimension_numbers = #tpu.dot_dimension_numbers<[1], [0], [0], [1], [0, 0, 1, 1], [], []>, precision = #tpu.contract_precision<fp32>, transpose_lhs_hint = false} : vector<2000x128xf32>, vector<128x128xf32>, vector<2000x128xf32> -> vector<2000x128xf32>
    %add3A_30 = arith.addf %add3A_21, %dot_general3A_29 : vector<2000x128xf32>
    %max3A = arith.constant 0.000000e+00 : f32
    %max3A_31 = vector.broadcast %max3A : f32 to vector<2000x128xf32>
    %max3A_32 = arith.maximumf %add3A_30, %max3A_31 : vector<2000x128xf32>
    %get3A_33 = arith.constant 0 : index
    %get3A_34 = arith.constant 0 : index
    %get3A_35 = vector.load %arg8[%get3A_33, %get3A_34] : memref<128x64xf32, #tpu.memory_space<vmem>>, vector<128x64xf32>
    %dot_general3A_36 = arith.constant dense<0.000000e+00> : vector<2000x64xf32>
    %dot_general3A_37 = tpu.matmul %max3A_32, %get3A_35, %dot_general3A_36 {dimension_numbers = #tpu.dot_dimension_numbers<[1], [0], [0], [1], [0, 0, 1, 1], [], []>, precision = #tpu.contract_precision<fp32>, transpose_lhs_hint = false} : vector<2000x128xf32>, vector<128x64xf32>, vector<2000x64xf32> -> vector<2000x64xf32>
    %get3A_38 = arith.constant 0 : index
    %get3A_39 = arith.constant 0 : index
    %get3A_40 = vector.load %arg9[%get3A_38, %get3A_39] : memref<1x64xf32, #tpu.memory_space<vmem>>, vector<1x64xf32>
    %add3A_41 = vector.broadcast %get3A_40 : vector<1x64xf32> to vector<2000x64xf32>
    %add3A_42 = arith.addf %dot_general3A_37, %add3A_41 : vector<2000x64xf32>
    %max3A_43 = arith.constant 0.000000e+00 : f32
    %max3A_44 = vector.broadcast %max3A_43 : f32 to vector<2000x64xf32>
    %max3A_45 = arith.maximumf %add3A_42, %max3A_44 : vector<2000x64xf32>
    %get3A_46 = arith.constant 0 : index
    %get3A_47 = arith.constant 0 : index
    %get3A_48 = vector.load %arg10[%get3A_46, %get3A_47] : memref<64x64xf32, #tpu.memory_space<vmem>>, vector<64x64xf32>
    %dot_general3A_49 = arith.constant dense<0.000000e+00> : vector<2000x64xf32>
    %dot_general3A_50 = tpu.matmul %max3A_45, %get3A_48, %dot_general3A_49 {dimension_numbers = #tpu.dot_dimension_numbers<[1], [0], [0], [1], [0, 0, 1, 1], [], []>, precision = #tpu.contract_precision<fp32>, transpose_lhs_hint = false} : vector<2000x64xf32>, vector<64x64xf32>, vector<2000x64xf32> -> vector<2000x64xf32>
    %get3A_51 = arith.constant 0 : index
    %get3A_52 = arith.constant 0 : index
    %get3A_53 = vector.load %arg11[%get3A_51, %get3A_52] : memref<1x64xf32, #tpu.memory_space<vmem>>, vector<1x64xf32>
    %add3A_54 = vector.broadcast %get3A_53 : vector<1x64xf32> to vector<2000x64xf32>
    %add3A_55 = arith.addf %dot_general3A_50, %add3A_54 : vector<2000x64xf32>
    %reduce_max3A = arith.constant dense<0xFF800000> : vector<2000xf32>
    %reduce_max3A_56 = vector.multi_reduction <maximumf>, %add3A_55, %reduce_max3A [1] : vector<2000x64xf32> to vector<2000xf32>
    %broadcast_in_dim3A = vector.shape_cast %reduce_max3A_56 : vector<2000xf32> to vector<2000x1xf32>
    %sub3A = vector.broadcast %broadcast_in_dim3A : vector<2000x1xf32> to vector<2000x64xf32>
    %sub3A_57 = arith.subf %add3A_55, %sub3A : vector<2000x64xf32>
    %exp3A = math.exp %sub3A_57 : vector<2000x64xf32>
    %reduce_sum3A = arith.constant dense<0.000000e+00> : vector<2000xf32>
    %reduce_sum3A_58 = vector.multi_reduction <add>, %exp3A, %reduce_sum3A [1] : vector<2000x64xf32> to vector<2000xf32>
    %broadcast_in_dim3A_59 = vector.shape_cast %reduce_sum3A_58 : vector<2000xf32> to vector<2000x1xf32>
    %log3A = math.log %broadcast_in_dim3A_59 : vector<2000x1xf32>
    %add3A_60 = arith.addf %broadcast_in_dim3A, %log3A : vector<2000x1xf32>
    %sub3A_61 = vector.broadcast %add3A_60 : vector<2000x1xf32> to vector<2000x64xf32>
    %sub3A_62 = arith.subf %add3A_55, %sub3A_61 : vector<2000x64xf32>
    %swap3A = arith.constant 0 : index
    %swap3A_63 = arith.constant 0 : index
    %swap3A_64 = vector.load %arg12[%swap3A, %swap3A_63] : memref<2000x64xf32, #tpu.memory_space<vmem>>, vector<2000x64xf32>
    tpu.vector_store %arg12[%swap3A, %swap3A_63], %sub3A_62 {strides = array<i32>} : memref<2000x64xf32, #tpu.memory_space<vmem>>, vector<2000x64xf32>,
    return
  }
  func.func @transform_0(%arg0: i32) -> (i32, i32, i32) {
    %c0_i32 = arith.constant 0 : i32
    %c0_i32_0 = arith.constant 0 : i32
    %c0_i32_1 = arith.constant 0 : i32
    return %c0_i32, %arg0, %c0_i32_0 : i32, i32, i32
  }
  func.func @transform_1(%arg0: i32) -> (i32, i32, i32) {
    %c1_i32 = arith.constant 1 : i32
    %c0_i32 = arith.constant 0 : i32
    %c0_i32_0 = arith.constant 0 : i32
    return %c1_i32, %arg0, %c0_i32 : i32, i32, i32
  }
  func.func @transform_2(%arg0: i32) -> (i32, i32) {
    %c0_i32 = arith.constant 0 : i32
    %c0_i32_0 = arith.constant 0 : i32
    return %arg0, %c0_i32 : i32, i32
  }
  func.func @transform_3(%arg0: i32) -> (i32, i32) {
    %c0_i32 = arith.constant 0 : i32
    %c0_i32_0 = arith.constant 0 : i32
    return %arg0, %c0_i32 : i32, i32
  }
  func.func @transform_4(%arg0: i32) -> (i32, i32) {
    %c0_i32 = arith.constant 0 : i32
    %c0_i32_0 = arith.constant 0 : i32
    %c0_i32_1 = arith.constant 0 : i32
    return %c0_i32, %c0_i32_0 : i32, i32
  }
  func.func @transform_5(%arg0: i32) -> (i32, i32) {
    %c0_i32 = arith.constant 0 : i32
    %c0_i32_0 = arith.constant 0 : i32
    %c0_i32_1 = arith.constant 0 : i32
    return %c0_i32, %c0_i32_0 : i32, i32
  }
  func.func @transform_6(%arg0: i32) -> (i32, i32) {
    %c0_i32 = arith.constant 0 : i32
    %c0_i32_0 = arith.constant 0 : i32
    %c0_i32_1 = arith.constant 0 : i32
    return %c0_i32, %c0_i32_0 : i32, i32
  }
  func.func @transform_7(%arg0: i32) -> (i32, i32) {
    %c0_i32 = arith.constant 0 : i32
    %c0_i32_0 = arith.constant 0 : i32
    %c0_i32_1 = arith.constant 0 : i32
    return %c0_i32, %c0_i32_0 : i32, i32
  }
  func.func @transform_8(%arg0: i32) -> (i32, i32) {
    %c0_i32 = arith.constant 0 : i32
    %c0_i32_0 = arith.constant 0 : i32
    %c0_i32_1 = arith.constant 0 : i32
    return %c0_i32, %c0_i32_0 : i32, i32
  }
  func.func @transform_9(%arg0: i32) -> (i32, i32) {
    %c0_i32 = arith.constant 0 : i32
    %c0_i32_0 = arith.constant 0 : i32
    %c0_i32_1 = arith.constant 0 : i32
    return %c0_i32, %c0_i32_0 : i32, i32
  }
  func.func @transform_10(%arg0: i32) -> (i32, i32) {
    %c0_i32 = arith.constant 0 : i32
    %c0_i32_0 = arith.constant 0 : i32
    %c0_i32_1 = arith.constant 0 : i32
    return %c0_i32, %c0_i32_0 : i32, i32
  }
  func.func @transform_11(%arg0: i32) -> (i32, i32) {
    %c0_i32 = arith.constant 0 : i32
    %c0_i32_0 = arith.constant 0 : i32
    return %arg0, %c0_i32 : i32, i32
  }
}

</mosaic_0001>

<sc_bundles>
// kernel: kernel.6.cloned.1.call-start
scs
__scs_entry_jumppad:
0x0: {  	(pc) =	sbr.rel $0x88, $3  }
0x1: {  	(tag) =	ssettag $0x0;
	lr =	simm.s32 $0x1  }
0x2: {  	[smem:$0x3F95] =	sst lr;
	_ =	strace $0xD0000000  }
0x3: {  	_ = 	snop  }
0x4: {  	_ = 	snop  }
0x5: {  	_ = 	snop  }
0x6: {  	_ = 	snop  }
0x7: {  	_ = 	snop  }
__scs_overlays_trampoline_lowered:
0x8: {  	[smem:$0x3FA4] =	sst s0  }
0x9: {  	[smem:$0x3FA5] =	sst s1  }
0xa: {  	[smem:$0x3FA6] =	sst s2  }
0xb: {  	[smem:$0x3FA7] =	sst s3  }
0xc: {  	[smem:$0x3FA8] =	sst s4  }
0xd: {  	[smem:$0x3FA9] =	sst s5  }
0xe: {  	[smem:$0x3FAA] =	sst s6  }
0xf: {  	[smem:$0x3FAB] =	sst s7  }
0x10: {  	[smem:$0x3FAC] =	sst s8  }
0x11: {  	[smem:$0x3FAD] =	sst s9;
	s0 =	simm.s32 @!p0 $0x0  }
0x12: {  	s1 =	sld [smem:$0x3F93];
	s0 =	simm.s32 @p0 $0x1  }
0x13: {  	[smem:$0x3FAE] =	sst s0;
	s0 =	simm.s32 @!p1 $0x0  }
0x14: {  	s2 =	sld [smem:$0x3F92];
	s0 =	simm.s32 @p1 $0x1  }
0x15: {  	[smem:$0x3FAF] =	sst s0;
	s0 =	simm.s32 @!p2 $0x0  }
0x16: {  	s3 =	sld [smem:$0x3FDB];
	s0 =	simm.s32 @p2 $0x1  }
0x17: {  	s4 =	simm.s32 $0x1BF5;
	[smem:$0x3FB1] =	sst s0  }
0x18: {  	s0 =	sld [smem:$0x3F94];
	_ =	swait.ge [sflag:s4], $0x0  }
0x19: {  	s7 =	sld [smem:$0x3F95]  }
0x1a: {  	s8 =	sadd.s32 $0xFFFFE003, lr  }
0x1b: {  	s9 =	sadd.s32 $0xFFFFFEF7, lr;
	s5 =	simm.s32 $0xFFFFFFFF;
	p2 =	slt.u32 s8, $0xFFFFF086  }
0x1c: {  	p1 =	slt.u32 s9, $0xF7A;
	s5 =	simm.s32 @!p2 $0x0  }
0x1d: {  	s5 =	simm.s32 @p1 $0x1;
	p0 =	seq.s32 s7, s2  }
0x1e: {  	s7 =	smul.u32 @!p0 $0xF7A, s2;
	p2 =	seq.s32 @!p0 s5, $0x0  }
0x1f: {  	s9 =	smul.u32 $0xF7A, s1;
	s8 =	simm.s32 @!p0 $0x1BF5;
	p2 =	por !p2, p0  }
0x20: {  	[sflag:s8] =	ssyncset.s32 @!p0 $0xFFFFF086;
	s6 =	sadd.s32 @!p0 s3, s7;
	s7 =	simm.s32 @!p0 $0x108  }
0x21: {  	s3 =	sadd.s32 s3, s9;
	s6 =	sadd.s32 @!p0 $0x88, s6;
	s7 =	simm.s32 @p2 $0x1082  }
0x22: {  	[simem:s7], [sflag:s8] =	dma.local @!p0 [hbm:s6], $0xF7A  }
0x23: {  	s9 =	sor.u32 $0xD0000000, s2;
	s6 =	simm.s32 $0x108;
	_ =	swait.ge @!p0 [sflag:s8], $0x0  }
0x24: {  	s3 =	sadd.s32 $0x88, s3;
	s6 =	simm.s32 @!p1 $0x1082;
	[sflag:s4] =	ssyncset.s32 $0xFFFFF086  }
0x25: {  	[simem:s6], [sflag:s4] =	dma.local [hbm:s3], $0xF7A  }
0x26: {  	[smem:$0x3F95] =	sst s1;
	(tag) =	ssettag s2;
	_ =	strace s9  }
0x27: {  	s1 =	sld [smem:$0x3FA5]  }
0x28: {  	s2 =	sld [smem:$0x3FA6]  }
0x29: {  	s4 =	sld [smem:$0x3FA8]  }
0x2a: {  	p0 =	seq.s32 s5, $0x0;
	s5 =	sld [smem:$0x3FA9]  }
0x2b: {  	s6 =	sld [smem:$0x3FAA]  }
0x2c: {  	s7 =	sld [smem:$0x3FAB]  }
0x2d: {  	s3 =	simm.s32 $0x108;
	s8 =	sld [smem:$0x3FAC]  }
0x2e: {  	s3 =	simm.s32 @!p0 $0x1082;
	s9 =	sld [smem:$0x3FAD]  }
0x2f: {  	lr =	sadd.s32 s0, s3;
	s0 =	sld [smem:$0x3FA4]  }
0x30: {  	s3 =	sld [smem:$0x3FA7]  }
0x31: {  	[smem:$0x3FB0] =	sst s10  }
0x32: {  	s10 =	sld [smem:$0x3FAE];
	_ =	sdelay $0x3  }
0x33: {  	p0 =	seq.s32 s10, $0x1;
	s10 =	sld [smem:$0x3FB0];
	_ =	sdelay $0x3  }
0x34: {  	[smem:$0x3FB0] =	sst s10  }
0x35: {  	s10 =	sld [smem:$0x3FAF];
	_ =	sdelay $0x3  }
0x36: {  	p1 =	seq.s32 s10, $0x1;
	s10 =	sld [smem:$0x3FB0];
	_ =	sdelay $0x3  }
0x37: {  	[smem:$0x3FB0] =	sst s10  }
0x38: {  	s10 =	sld [smem:$0x3FB1]  }
0x39: {  	_ = 	snop;
	(pc) =	sbr.ind lr, $3  }
0x3a: {  	_ = 	snop  }
0x3b: {  	_ = 	snop  }
0x3c: {  	p2 =	seq.s32 s10, $0x1;
	s10 =	sld [smem:$0x3FB0]  }
0x3d: {  	_ =	shalt  }
0x3e: {  	_ =	shalt  }
0x3f: {  	_ =	shalt  }
0x40: {  	_ =	shalt  }
0x41: {  	_ =	shalt  }
0x42: {  	_ =	shalt  }
0x43: {  	_ =	shalt  }
0x44: {  	_ =	shalt  }
0x45: {  	_ =	shalt  }
0x46: {  	_ =	shalt  }
0x47: {  	_ =	shalt  }
0x48: {  	_ =	shalt  }
0x49: {  	_ =	shalt  }
0x4a: {  	_ =	shalt  }
0x4b: {  	_ =	shalt  }
0x4c: {  	_ =	shalt  }
0x4d: {  	_ =	shalt  }
0x4e: {  	_ =	shalt  }
0x4f: {  	_ =	shalt  }
0x50: {  	_ =	shalt  }
0x51: {  	_ =	shalt  }
0x52: {  	_ =	shalt  }
0x53: {  	_ =	shalt  }
0x54: {  	_ =	shalt  }
0x55: {  	_ =	shalt  }
0x56: {  	_ =	shalt  }
0x57: {  	_ =	shalt  }
0x58: {  	_ =	shalt  }
0x59: {  	_ =	shalt  }
0x5a: {  	_ =	shalt  }
0x5b: {  	_ =	shalt  }
0x5c: {  	_ =	shalt  }
0x5d: {  	_ =	shalt  }
0x5e: {  	_ =	shalt  }
0x5f: {  	_ =	shalt  }
0x60: {  	_ =	shalt  }
0x61: {  	_ =	shalt  }
0x62: {  	_ =	shalt  }
0x63: {  	_ =	shalt  }
0x64: {  	_ =	shalt  }
0x65: {  	_ =	shalt  }
0x66: {  	_ =	shalt  }
0x67: {  	_ =	shalt  }
0x68: {  	_ =	shalt  }
0x69: {  	_ =	shalt  }
0x6a: {  	_ =	shalt  }
0x6b: {  	_ =	shalt  }
0x6c: {  	_ =	shalt  }
0x6d: {  	_ =	shalt  }
0x6e: {  	_ =	shalt  }
0x6f: {  	_ =	shalt  }
0x70: {  	_ =	shalt  }
0x71: {  	_ =	shalt  }
0x72: {  	_ =	shalt  }
0x73: {  	_ =	shalt  }
0x74: {  	_ =	shalt  }
0x75: {  	_ =	shalt  }
0x76: {  	_ =	shalt  }
0x77: {  	_ =	shalt  }
0x78: {  	_ =	shalt  }
0x79: {  	_ =	shalt  }
0x7a: {  	_ =	shalt  }
0x7b: {  	_ =	shalt  }
0x7c: {  	_ =	shalt  }
0x7d: {  	_ =	shalt  }
0x7e: {  	_ =	shalt  }
0x7f: {  	_ =	shalt  }
0x80: {  	_ =	shalt  }
0x81: {  	_ =	shalt  }
0x82: {  	_ =	shalt  }
0x83: {  	_ =	shalt  }
0x84: {  	_ =	shalt  }
0x85: {  	_ =	shalt  }
0x86: {  	_ =	shalt  }
0x87: {  	_ =	shalt  }
.Lfunc_end0:
.L_simem_size_0:
called_computation_lowered:
.L_overlay_start_0:
0x88: {  	s2 =	sld [smem:$0x3FD9]  }
0x89: {  	s3 =	sld [smem:$0x3FFE];
	_ =	sdelay $0x1  }
0x8a: {  	s1 =	srdreg.scid  }
0x8b: {  	s0 =	sand.u32 $0x1, s1  }
0x8c: {  	s17 =	sshll.u32 s0, $0xA;
	s2 =	sadd.s32 s3, s2  }
0x8d: {  	s2 =	sadd.s32 s2, s17  }
0x8e: {  	[smem:$0x3FBC] =	sst s2  }
0x8f: {  	_ = 	snop  }
0x90: {  	s2 =	sld [smem:$0x3FC9]  }
0x91: {  	s18 =	sld [smem:$0x3FD0];
	(tm) =	ssettm $0x1  }
0x92: {  	s4 =	sld [smem:$0x3FFB];
	_ =	sdelay $0x3  }
0x93: {  	_ =	strace s4  }
0x94: {  	s4 =	sld [smem:$0x3FFC];
	_ =	sdelay $0x3  }
0x95: {  	_ =	strace s4  }
0x96: {  	s4 =	sld [smem:$0x3FFD];
	_ =	sdelay $0x3  }
0x97: {  	_ =	strace s4  }
0x98: {  	_ =	strace $0x8FFFFFFF  }
0x99: {  	s19 =	sld [smem:$0x3FDB];
	_ =	sdelay $0x1  }
0x9a: {  	s5 =	simm.s32 $_scs_section_size  }
0x9b: {  	s6 =	simm.s32 $_size__tile_overlayer_lowered;
	s7 =	simm.s32 $_tile_overlayer_lowered  }
0x9c: {  	s22 =	simm.s32 $0x1BFF;
	s21 =	sshll.u32 s7, $0x1;
	s4 =	sadd.s32 s5, s19  }
0x9d: {  	s8 =	simm.s32 $0x0;
	s20 =	sshll.u32 s6, $0x1;
	s6 =	sadd.s32 s21, s4  }
0x9e: {  	[timem:s8], [sflag:s22] =	dma.local [hbm:s6], s20  }
0x9f: {  	_ =	swait.ge [sflag:s22], s20  }
0xa0: {  	s5 =	ssub.s32 $0x0, s20;
	[sflag:s22] =	ssyncset.done $0x0  }
0xa1: {  	[sflag:s22] =	ssyncadd.s32 s5;
	_ =	sdelay $0x1  }
0xa2: {  	s23 =	simm.s32 $0x1B8B  }
0xa3: {  	_ =	swait.ge [sflag:s23], $0x1  }
0xa4: {  	[sflag:s23] =	ssyncset.done $0x0  }
0xa5: {  	s25 =	simm.s32 $0x1B8E;
	s24 =	sld [smem:$0x3FFE];
	[sflag:s23] =	ssyncadd.s32 $0xFFFFFFFF  }
0xa6: {  	s26 =	simm.s32 $execute0_lowered;
	[smem:$0x3FD2] =	sst s25  }
0xa7: {  	s6 =	sshll.u32 s26, $0x1;
	_ =	strace $0x80000046;
	[dreg:$0x1] =	wrdreg $0xFFFFFFFF  }
0xa8: {  	s28 =	simm.s32 $_size_execute0_lowered;
	s4 =	sadd.s32 s4, s6;
	[dreg:$0x0] =	wrdreg $0x0  }
0xa9: {  	s6 =	sshll.u32 s28, $0x1;
	[dreg:$0x2] =	wrdreg s4  }
0xaa: {  	[dreg:$0x3] =	wrdreg s6  }
0xab: {  	[dreg:$0x4] =	wrdreg $0xC0  }
0xac: {  	_ =	task [dreg:s8], $0x5FFFF  }
0xad: {  	[dreg:$0x1] =	wrdreg $0xFFFFFFFF  }
0xae: {  	[dreg:$0x0] =	wrdreg $0x60  }
0xaf: {  	[dreg:$0x2] =	wrdreg s18  }
0xb0: {  	[dreg:$0x3] =	wrdreg s24  }
0xb1: {  	[dreg:$0x4] =	wrdreg s2  }
0xb2: {  	[dreg:$0x5] =	wrdreg $0x41000  }
0xb3: {  	[dreg:$0x6] =	wrdreg $0x9  }
0xb4: {  	_ =	task.clear_ibuf [dreg:s8], $0x7FFFF;
	_ =	strace $0x90000046  }
0xb5: {  	s29 =	simm.s32 $0x9;
	_ =	strace $0x80000048  }
0xb6: {  	_ =	swait.ge [sflag:s29], $0x1  }
0xb7: {  	[sflag:s29] =	ssyncadd.s32 $0xFFFFFFFF  }
0xb8: {  	_ =	strace $0x90000048  }
0xb9: {  	_ =	sfence  }
0xba: {  	s30 =	sld [smem:$0x0];
	_ =	sdelay $0x2  }
0xbb: {  	s31 =	sshll.u32 s1, $0xD;
	s1 =	sshrl.u32 s1, $0x2  }
0xbc: {  	s3 =	sand.u32 $0x4000, s31;
	s1 =	sadd.s32 s1, s30  }
0xbd: {  	s0 =	sor.u32 s3, s0;
	s1 =	sshll.u32 s1, $0x11  }
0xbe: {  	s0 =	sor.u32 s1, s0  }
0xbf: {  	s0 =	sadd.s32 $0x8F2B, s0  }
0xc0: {  	[sflag:s0] =	ssyncadd.remote.s32 $0x1  }
0xc1: {  	_ =	sfence.sel $0xFFFF  }
0xc2: {  	[dreg:$0x0] =	wrdreg $0xFFFFFFFF;
	(pc) =	sbr.abs _section_cstart, $3  }
0xc3: {  	[dreg:$0x1] =	wrdreg $0xFFFFFFFF  }
0xc4: {  	_ =	task.clear_ibuf [dreg:s8], $0x2FFFF;
	_ =	strace $0x9FFFFFFF  }
0xc5: {  	(tm) =	ssettm $0x7FFFFFFF  }
tec
execute0_lowered:
.L_overlay_start_1:
0x0: {  	(tag) =	ssettag $0x1  }
0x1: {  	s11 =	rddreg [dreg:$0x0]  }
0x2: {  	s5 =	rddreg [dreg:$0x1]  }
0x3: {  	s2 =	rddreg [dreg:$0x2]  }
0x4: {  	s3 =	rddreg [dreg:$0x3]  }
0x5: {  	s0 =	rddreg [dreg:$0x4]  }
0x6: {  	s6 =	srdreg.scid;
	s1 =	stileid.u32  }
0x7: {  	s4 =	simm.s32 $0x0;
	s16 =	simm.s32 $0x17D00;
	s7 =	smul.u32 $0x4F00, s1  }
0x8: {  	s17 =	simm.s32 $0x0;
	s6 =	sand.u32 $0x1, s6;
	s26 =	smul.u32 $0x2780, s1  }
0x9: {  	[smem:$0x7FF] =	sst s4;
	s9 =	sshll.u32 s1, $0x1;
	s29 =	smul.u32 $0x4F000, s1  }
0xa: {  	s31 =	sshll.u32 s1, $0x6;
	s8 =	smul.u32 $0x2780, s6;
	_ =	strace $0x80000047  }
0xb: {  	s28 =	smul.u32 $0x27800, s6;
	s9 =	sor.u32 s6, s9;
	s6 =	ssub.s32 $0x2, s6  }
0xc: {  	s13 =	sadd.s32 s26, s5;
	s9 =	smul.u32 $0x2780, s9;
	s14 =	sshrl.u32 s6, $0x1  }
0xd: {  	s30 =	sshrl.u32 s29, $0x2;
	s7 =	sadd.s32 s8, s7;
	s14 =	ssub.s32 s6, s14  }
0xe: {  	s15 =	sadd.s32 s30, s3;
	s6 =	sor.u32 $0x1C01, s31;
	s12 =	sshrl.u32 s7, $0x3  }
0xf: {  	s7 =	sadd.s32 s26, s28;
	s9 =	sshrl.u32 s9, $0x3;
	s10 =	sadd.s32 s12, s5  }
0x10: {  	s7 =	sadd.s32 s7, s5;
	s9 =	sadd.s32 s9, s5;
	s5 =	sadd.s32 $0xCA00, s13  }
0x11: {  	s11 =	sadd.s32 s12, s11;
	s12 =	sshrl.u32 s15, $0x3;
	s13 =	simm.s32 $0x1  }
0x12: {  	s15 =	simm.s32 $0x100;
	s7 =	sadd.s32 $0x3E000, s7;
	s8 =	sadd.s32 $0x34200, s9  }
0x13: {  	v0 =	vimm.f32 $0.0e+00;
	v1 =	vimm.f32 $1.000000000e+00;
	s9 =	smax.u32 s14, $0x1;
	s10 =	sadd.s32 $0x2C00, s10;
	s14 =	simm.s32 $0x80  }
.LBB2_1:
0x14: {  	[spmem:s12], [sflag:s6] =	dma.local [hbm:s5], $0x2780  }
0x15: {  	_ =	swait.ge [sflag:s13], $0x2780  }
0x16: {  	[sflag:s13] =	ssyncset.done $0x0  }
0x17: {  	s18 =	simm.s32 $0x40;
	s19 =	simm.s32 $0x0;
	[sflag:s13] =	ssyncadd.s32 $0xFFFFD880  }
.LBB2_2:
0x18: {  	p0 =	sne.s32 s18, $0x9DC0;
	[tilespmem:s19+$0x17D00] =	vst v0;
	s19 =	smov.u32 s18;
	s18 =	sadd.s32 $0x40, s18  }
.Ltmp0:
0x19: {  	(pc) =	sbr.rel @p0 .LBB2_2-.Ltmp0, $2  }
0x1a: {  	_ =	sdelay $0x2  }
0x1b: {  	s19 =	sshra.s32 s19, $0x2  }
0x1c: {  	[tilespmem:s19+$0x17D00] =	vst v0  }
0x1d: {  	s18 =	simm.s32 $0x0;
	[bflag:$0x0] =	sbarrier.arrive $0xFFFF  }
.LBB2_4:
0x1e: {  	s19 =	sadd.s32 s18, s11  }
0x1f: {  	[tilespmem:s4], [sflag:$0x1] =	stream.linear.gather [hbm4b:s19+s4], $0x80, $0x38;
	[tilespmem:$0x1A480] =	vst v63  }
0x20: {  	_ =	swait.ge [sflag:s13], $0x80  }
0x21: {  	[sflag:s13] =	ssyncset.done $0x0  }
0x22: {  	s31 =	sadd.s32 s18, s10;
	[sflag:s13] =	ssyncadd.s32 $0xFFFFFF80  }
0x23: {  	[tilespmem:s14], [sflag:$0x1] =	stream.linear.gather [hbm4b:s31+s4], $0x80, $0x38;
	[tilespmem:$0x1A480] =	vst v63  }
0x24: {  	_ =	swait.ge [sflag:s13], $0x80  }
0x25: {  	[sflag:s13] =	ssyncset.done $0x0  }
0x26: {  	[sflag:s13] =	ssyncadd.s32 $0xFFFFFF80  }
0x27: {  	[tilespmem:s15], [sflag:$0x1] =	stream.indirect.gather [hbm4b:s2+s14], $0x80, s4, s14, $0xb8;
	[tilespmem:$0x1A480] =	vst v63  }
0x28: {  	_ =	swait.ge [sflag:s13], $0x4000  }
0x29: {  	[sflag:s13] =	ssyncset.done $0x0  }
0x2a: {  	[sflag:s13] =	ssyncadd.s32 $0xFFFFC000  }
0x2b: {  	[spmem:s3] =	stream.indirect.scatter.add.f32 [tilespmem:s15], [sflag:$0x1], $0x80, s14, s14, $0xb8;
	[tilespmem:$0x1A480] =	vst v63  }
0x2c: {  	_ =	swait.ge [sflag:s13], $0x4000  }
0x2d: {  	[sflag:s13] =	ssyncset.done $0x0  }
0x2e: {  	[sflag:s13] =	ssyncadd.s32 $0xFFFFC000  }
0x2f: {  	v2 =	vld [tilespmem:$0x80];
	_ =	sdelay $0x7  }
0x30: {  	[tilespmem:v2+s16+$0x0] =	vst.idx.add.f32.msk $0xffff, v1  }
0x31: {  	v2 =	vld [tilespmem:$0x90];
	_ =	sdelay $0x7  }
0x32: {  	[tilespmem:v2+s16+$0x0] =	vst.idx.add.f32.msk $0xffff, v1  }
0x33: {  	v2 =	vld [tilespmem:$0xA0];
	_ =	sdelay $0x7  }
0x34: {  	[tilespmem:v2+s16+$0x0] =	vst.idx.add.f32.msk $0xffff, v1  }
0x35: {  	v2 =	vld [tilespmem:$0xB0];
	_ =	sdelay $0x7  }
0x36: {  	[tilespmem:v2+s16+$0x0] =	vst.idx.add.f32.msk $0xffff, v1  }
0x37: {  	v2 =	vld [tilespmem:$0xC0];
	_ =	sdelay $0x7  }
0x38: {  	[tilespmem:v2+s16+$0x0] =	vst.idx.add.f32.msk $0xffff, v1  }
0x39: {  	v2 =	vld [tilespmem:$0xD0];
	_ =	sdelay $0x7  }
0x3a: {  	[tilespmem:v2+s16+$0x0] =	vst.idx.add.f32.msk $0xffff, v1  }
0x3b: {  	v2 =	vld [tilespmem:$0xE0];
	_ =	sdelay $0x7  }
0x3c: {  	[tilespmem:v2+s16+$0x0] =	vst.idx.add.f32.msk $0xffff, v1  }
0x3d: {  	v2 =	vld [tilespmem:$0xF0];
	_ =	sdelay $0x2  }
0x3e: {  	p0 =	sne.s32 s18, $0x4E0  }
.Ltmp1:
0x3f: {  	_ = 	snop;
	(pc) =	sbr.rel @p0 .LBB2_4-.Ltmp1, $2  }
0x40: {  	_ =	sdelay $0x2  }
0x41: {  	s18 =	sadd.s32 $0x10, s18;
	[tilespmem:v2+s16+$0x0] =	vst.idx.add.f32.msk $0xffff, v1  }
0x42: {  	[bflag:$0x0] =	sbarrier.arrive $0xFFFF  }
0x43: {  	[hbm:s7], [sflag:s6] =	dma.local [spmem:s12], $0x2780  }
0x44: {  	s17 =	sadd.s32 $0x1, s17;
	_ =	swait.ge [sflag:s13], $0x2780  }
0x45: {  	p0 =	sne.s32 s17, s9;
	[sflag:s13] =	ssyncset.done $0x0  }
.Ltmp2:
0x46: {  	[sflag:s13] =	ssyncadd.s32 $0xFFFFD880;
	(pc) =	sbr.rel @p0 .LBB2_1-.Ltmp2, $4  }
0x47: {  	[hbm4b:s8+s4] =	stream.linear.scatter [tilespmem:s16], [sflag:$0x1], $0x2780, $0x38;
	[tilespmem:$0x1A480] =	vst v63  }
0x48: {  	_ =	swait.ge [sflag:s13], $0x2780  }
0x49: {  	[sflag:s13] =	ssyncset.done $0x0  }
0x4a: {  	[sflag:s13] =	ssyncadd.s32 $0xFFFFD880  }
0x4b: {  	_ =	sfence.sel $0x180000  }
0x4c: {  	[bflag:$0x0] =	sbarrier.arrive $0xFFFF  }
0x4d: {  	p0 =	sne.s32 s1, $0x0;
	_ =	strace $0x90000047  }
0x4e: {  	s0 =	sadd.s32 @!p0 $0x100000, s0;
	[bflag:$0x2] =	sbarrier.arrive $0xFFFF  }
0x4f: {  	[sflag:s0] =	ssyncadd.tile.s32 @!p0 $0x1;
	_ =	shalt  }
.Lfunc_end2:
_tile_overlayer_lowered:
.L_overlay_start_2:
0x50: {  	(tag) =	ssettag $0x2  }
0x51: {  	s0 =	rddreg [dreg:$0x0];
	s2 =	stileid.u32  }
0x52: {  	s1 =	rddreg [dreg:$0x1];
	p0 =	sne.s32 s2, $0x0  }
0x53: {  	s3 =	rddreg [dreg:$0x2];
	[bflag:$0x3] =	sbarrier.arrive $0xFFFF;
	s2 =	simm.s32 @!p0 $0x1C01  }
0x54: {  	[timem:s3], [sflag:s2] =	dma.local @!p0 [hbm:s0], s1  }
0x55: {  	s0 =	simm.s32 @!p0 $0x1  }
0x56: {  	_ =	swait.ge @!p0 [sflag:s0], s1  }
0x57: {  	s1 =	ssub.s32 @!p0 $0x0, s1;
	[sflag:s0] =	ssyncset.done @!p0 $0x0  }
0x58: {  	[sflag:s0] =	ssyncadd.s32 @!p0 s1  }
0x59: {  	[bflag:$0x3] =	sbarrier.arrive $0xFFFF  }
0x5a: {  	_ =	shalt  }

// kernel: kernel.9.cloned.1.call-start
scs
__scs_entry_jumppad:
0x0: {  	(pc) =	sbr.rel $0x88, $3  }
0x1: {  	(tag) =	ssettag $0x0;
	lr =	simm.s32 $0x1  }
0x2: {  	[smem:$0x3F95] =	sst lr;
	_ =	strace $0xD0000000  }
0x3: {  	_ = 	snop  }
0x4: {  	_ = 	snop  }
0x5: {  	_ = 	snop  }
0x6: {  	_ = 	snop  }
0x7: {  	_ = 	snop  }
__scs_overlays_trampoline_lowered:
0x8: {  	[smem:$0x3FA4] =	sst s0  }
0x9: {  	[smem:$0x3FA5] =	sst s1  }
0xa: {  	[smem:$0x3FA6] =	sst s2  }
0xb: {  	[smem:$0x3FA7] =	sst s3  }
0xc: {  	[smem:$0x3FA8] =	sst s4  }
0xd: {  	[smem:$0x3FA9] =	sst s5  }
0xe: {  	[smem:$0x3FAA] =	sst s6  }
0xf: {  	[smem:$0x3FAB] =	sst s7  }
0x10: {  	[smem:$0x3FAC] =	sst s8  }
0x11: {  	[smem:$0x3FAD] =	sst s9;
	s0 =	simm.s32 @!p0 $0x0  }
0x12: {  	s1 =	sld [smem:$0x3F93];
	s0 =	simm.s32 @p0 $0x1  }
0x13: {  	[smem:$0x3FAE] =	sst s0;
	s0 =	simm.s32 @!p1 $0x0  }
0x14: {  	s2 =	sld [smem:$0x3F92];
	s0 =	simm.s32 @p1 $0x1  }
0x15: {  	[smem:$0x3FAF] =	sst s0;
	s0 =	simm.s32 @!p2 $0x0  }
0x16: {  	s3 =	sld [smem:$0x3FDB];
	s0 =	simm.s32 @p2 $0x1  }
0x17: {  	s4 =	simm.s32 $0x1BF5;
	[smem:$0x3FB1] =	sst s0  }
0x18: {  	s0 =	sld [smem:$0x3F94];
	_ =	swait.ge [sflag:s4], $0x0  }
0x19: {  	s7 =	sld [smem:$0x3F95]  }
0x1a: {  	s8 =	sadd.s32 $0xFFFFE003, lr  }
0x1b: {  	s9 =	sadd.s32 $0xFFFFFEF7, lr;
	s5 =	simm.s32 $0xFFFFFFFF;
	p2 =	slt.u32 s8, $0xFFFFF086  }
0x1c: {  	p1 =	slt.u32 s9, $0xF7A;
	s5 =	simm.s32 @!p2 $0x0  }
0x1d: {  	s5 =	simm.s32 @p1 $0x1;
	p0 =	seq.s32 s7, s2  }
0x1e: {  	s7 =	smul.u32 @!p0 $0xF7A, s2;
	p2 =	seq.s32 @!p0 s5, $0x0  }
0x1f: {  	s9 =	smul.u32 $0xF7A, s1;
	s8 =	simm.s32 @!p0 $0x1BF5;
	p2 =	por !p2, p0  }
0x20: {  	[sflag:s8] =	ssyncset.s32 @!p0 $0xFFFFF086;
	s6 =	sadd.s32 @!p0 s3, s7;
	s7 =	simm.s32 @!p0 $0x108  }
0x21: {  	s3 =	sadd.s32 s3, s9;
	s6 =	sadd.s32 @!p0 $0x88, s6;
	s7 =	simm.s32 @p2 $0x1082  }
0x22: {  	[simem:s7], [sflag:s8] =	dma.local @!p0 [hbm:s6], $0xF7A  }
0x23: {  	s9 =	sor.u32 $0xD0000000, s2;
	s6 =	simm.s32 $0x108;
	_ =	swait.ge @!p0 [sflag:s8], $0x0  }
0x24: {  	s3 =	sadd.s32 $0x88, s3;
	s6 =	simm.s32 @!p1 $0x1082;
	[sflag:s4] =	ssyncset.s32 $0xFFFFF086  }
0x25: {  	[simem:s6], [sflag:s4] =	dma.local [hbm:s3], $0xF7A  }
0x26: {  	[smem:$0x3F95] =	sst s1;
	(tag) =	ssettag s2;
	_ =	strace s9  }
0x27: {  	s1 =	sld [smem:$0x3FA5]  }
0x28: {  	s2 =	sld [smem:$0x3FA6]  }
0x29: {  	s4 =	sld [smem:$0x3FA8]  }
0x2a: {  	p0 =	seq.s32 s5, $0x0;
	s5 =	sld [smem:$0x3FA9]  }
0x2b: {  	s6 =	sld [smem:$0x3FAA]  }
0x2c: {  	s7 =	sld [smem:$0x3FAB]  }
0x2d: {  	s3 =	simm.s32 $0x108;
	s8 =	sld [smem:$0x3FAC]  }
0x2e: {  	s3 =	simm.s32 @!p0 $0x1082;
	s9 =	sld [smem:$0x3FAD]  }
0x2f: {  	lr =	sadd.s32 s0, s3;
	s0 =	sld [smem:$0x3FA4]  }
0x30: {  	s3 =	sld [smem:$0x3FA7]  }
0x31: {  	[smem:$0x3FB0] =	sst s10  }
0x32: {  	s10 =	sld [smem:$0x3FAE];
	_ =	sdelay $0x3  }
0x33: {  	p0 =	seq.s32 s10, $0x1;
	s10 =	sld [smem:$0x3FB0];
	_ =	sdelay $0x3  }
0x34: {  	[smem:$0x3FB0] =	sst s10  }
0x35: {  	s10 =	sld [smem:$0x3FAF];
	_ =	sdelay $0x3  }
0x36: {  	p1 =	seq.s32 s10, $0x1;
	s10 =	sld [smem:$0x3FB0];
	_ =	sdelay $0x3  }
0x37: {  	[smem:$0x3FB0] =	sst s10  }
0x38: {  	s10 =	sld [smem:$0x3FB1]  }
0x39: {  	_ = 	snop;
	(pc) =	sbr.ind lr, $3  }
0x3a: {  	_ = 	snop  }
0x3b: {  	_ = 	snop  }
0x3c: {  	p2 =	seq.s32 s10, $0x1;
	s10 =	sld [smem:$0x3FB0]  }
0x3d: {  	_ =	shalt  }
0x3e: {  	_ =	shalt  }
0x3f: {  	_ =	shalt  }
0x40: {  	_ =	shalt  }
0x41: {  	_ =	shalt  }
0x42: {  	_ =	shalt  }
0x43: {  	_ =	shalt  }
0x44: {  	_ =	shalt  }
0x45: {  	_ =	shalt  }
0x46: {  	_ =	shalt  }
0x47: {  	_ =	shalt  }
0x48: {  	_ =	shalt  }
0x49: {  	_ =	shalt  }
0x4a: {  	_ =	shalt  }
0x4b: {  	_ =	shalt  }
0x4c: {  	_ =	shalt  }
0x4d: {  	_ =	shalt  }
0x4e: {  	_ =	shalt  }
0x4f: {  	_ =	shalt  }
0x50: {  	_ =	shalt  }
0x51: {  	_ =	shalt  }
0x52: {  	_ =	shalt  }
0x53: {  	_ =	shalt  }
0x54: {  	_ =	shalt  }
0x55: {  	_ =	shalt  }
0x56: {  	_ =	shalt  }
0x57: {  	_ =	shalt  }
0x58: {  	_ =	shalt  }
0x59: {  	_ =	shalt  }
0x5a: {  	_ =	shalt  }
0x5b: {  	_ =	shalt  }
0x5c: {  	_ =	shalt  }
0x5d: {  	_ =	shalt  }
0x5e: {  	_ =	shalt  }
0x5f: {  	_ =	shalt  }
0x60: {  	_ =	shalt  }
0x61: {  	_ =	shalt  }
0x62: {  	_ =	shalt  }
0x63: {  	_ =	shalt  }
0x64: {  	_ =	shalt  }
0x65: {  	_ =	shalt  }
0x66: {  	_ =	shalt  }
0x67: {  	_ =	shalt  }
0x68: {  	_ =	shalt  }
0x69: {  	_ =	shalt  }
0x6a: {  	_ =	shalt  }
0x6b: {  	_ =	shalt  }
0x6c: {  	_ =	shalt  }
0x6d: {  	_ =	shalt  }
0x6e: {  	_ =	shalt  }
0x6f: {  	_ =	shalt  }
0x70: {  	_ =	shalt  }
0x71: {  	_ =	shalt  }
0x72: {  	_ =	shalt  }
0x73: {  	_ =	shalt  }
0x74: {  	_ =	shalt  }
0x75: {  	_ =	shalt  }
0x76: {  	_ =	shalt  }
0x77: {  	_ =	shalt  }
0x78: {  	_ =	shalt  }
0x79: {  	_ =	shalt  }
0x7a: {  	_ =	shalt  }
0x7b: {  	_ =	shalt  }
0x7c: {  	_ =	shalt  }
0x7d: {  	_ =	shalt  }
0x7e: {  	_ =	shalt  }
0x7f: {  	_ =	shalt  }
0x80: {  	_ =	shalt  }
0x81: {  	_ =	shalt  }
0x82: {  	_ =	shalt  }
0x83: {  	_ =	shalt  }
0x84: {  	_ =	shalt  }
0x85: {  	_ =	shalt  }
0x86: {  	_ =	shalt  }
0x87: {  	_ =	shalt  }
.Lfunc_end0:
.L_simem_size_0:
called_computation.1_lowered:
.L_overlay_start_0:
0x88: {  	s2 =	sld [smem:$0x3FD9]  }
0x89: {  	s3 =	sld [smem:$0x3FFE];
	_ =	sdelay $0x1  }
0x8a: {  	s1 =	srdreg.scid  }
0x8b: {  	s0 =	sand.u32 $0x1, s1  }
0x8c: {  	s17 =	sshll.u32 s0, $0xA;
	s2 =	sadd.s32 s3, s2  }
0x8d: {  	s2 =	sadd.s32 s2, s17  }
0x8e: {  	[smem:$0x3FBC] =	sst s2  }
0x8f: {  	_ = 	snop  }
0x90: {  	s2 =	sld [smem:$0x3FD0];
	(tm) =	ssettm $0x1  }
0x91: {  	s18 =	sld [smem:$0x3FFB];
	_ =	sdelay $0x3  }
0x92: {  	_ =	strace s18  }
0x93: {  	s3 =	sld [smem:$0x3FFC];
	_ =	sdelay $0x3  }
0x94: {  	_ =	strace s3  }
0x95: {  	s3 =	sld [smem:$0x3FFD];
	_ =	sdelay $0x3  }
0x96: {  	_ =	strace s3  }
0x97: {  	_ =	strace $0x8FFFFFFF  }
0x98: {  	s19 =	sld [smem:$0x3FDB];
	_ =	sdelay $0x1  }
0x99: {  	s4 =	simm.s32 $_scs_section_size  }
0x9a: {  	s5 =	simm.s32 $_size__tile_overlayer_lowered;
	s6 =	simm.s32 $_tile_overlayer_lowered  }
0x9b: {  	s22 =	simm.s32 $0x1BFF;
	s21 =	sshll.u32 s6, $0x1;
	s3 =	sadd.s32 s4, s19  }
0x9c: {  	s7 =	simm.s32 $0x0;
	s20 =	sshll.u32 s5, $0x1;
	s5 =	sadd.s32 s21, s3  }
0x9d: {  	[timem:s7], [sflag:s22] =	dma.local [hbm:s5], s20  }
0x9e: {  	_ =	swait.ge [sflag:s22], s20  }
0x9f: {  	s4 =	ssub.s32 $0x0, s20;
	[sflag:s22] =	ssyncset.done $0x0  }
0xa0: {  	[sflag:s22] =	ssyncadd.s32 s4;
	_ =	sdelay $0x1  }
0xa1: {  	s23 =	simm.s32 $0x1B8B  }
0xa2: {  	_ =	swait.ge [sflag:s23], $0x1  }
0xa3: {  	[sflag:s23] =	ssyncset.done $0x0  }
0xa4: {  	s25 =	simm.s32 $0x1B8E;
	s24 =	sld [smem:$0x3FFE];
	[sflag:s23] =	ssyncadd.s32 $0xFFFFFFFF  }
0xa5: {  	s26 =	simm.s32 $execute0_lowered;
	[smem:$0x3FD2] =	sst s25  }
0xa6: {  	s5 =	sshll.u32 s26, $0x1;
	_ =	strace $0x80000049;
	[dreg:$0x1] =	wrdreg $0xFFFFFFFF  }
0xa7: {  	s28 =	simm.s32 $_size_execute0_lowered;
	s3 =	sadd.s32 s3, s5;
	[dreg:$0x0] =	wrdreg $0x0  }
0xa8: {  	s5 =	sshll.u32 s28, $0x1;
	[dreg:$0x2] =	wrdreg s3  }
0xa9: {  	[dreg:$0x3] =	wrdreg s5  }
0xaa: {  	[dreg:$0x4] =	wrdreg $0xC0  }
0xab: {  	_ =	task [dreg:s7], $0x5FFFF  }
0xac: {  	[dreg:$0x1] =	wrdreg $0xFFFFFFFF  }
0xad: {  	[dreg:$0x0] =	wrdreg $0x60  }
0xae: {  	[dreg:$0x2] =	wrdreg s2  }
0xaf: {  	[dreg:$0x3] =	wrdreg s24  }
0xb0: {  	[dreg:$0x4] =	wrdreg $0x41000  }
0xb1: {  	[dreg:$0x5] =	wrdreg $0x9  }
0xb2: {  	_ =	task.clear_ibuf [dreg:s7], $0x6FFFF;
	_ =	strace $0x90000049  }
0xb3: {  	s29 =	simm.s32 $0x9;
	_ =	strace $0x8000004B  }
0xb4: {  	_ =	swait.ge [sflag:s29], $0x1  }
0xb5: {  	[sflag:s29] =	ssyncadd.s32 $0xFFFFFFFF  }
0xb6: {  	_ =	strace $0x9000004B  }
0xb7: {  	_ =	sfence  }
0xb8: {  	s30 =	sld [smem:$0x0];
	_ =	sdelay $0x2  }
0xb9: {  	s31 =	sshll.u32 s1, $0xD;
	s1 =	sshrl.u32 s1, $0x2  }
0xba: {  	s3 =	sand.u32 $0x4000, s31;
	s1 =	sadd.s32 s1, s30  }
0xbb: {  	s0 =	sor.u32 s3, s0;
	s1 =	sshll.u32 s1, $0x11  }
0xbc: {  	s0 =	sor.u32 s1, s0  }
0xbd: {  	s0 =	sadd.s32 $0x8F2B, s0  }
0xbe: {  	[sflag:s0] =	ssyncadd.remote.s32 $0x1  }
0xbf: {  	_ =	sfence.sel $0xFFFF  }
0xc0: {  	[dreg:$0x0] =	wrdreg $0xFFFFFFFF;
	(pc) =	sbr.abs _section_cstart, $3  }
0xc1: {  	[dreg:$0x1] =	wrdreg $0xFFFFFFFF  }
0xc2: {  	_ =	task.clear_ibuf [dreg:s7], $0x2FFFF;
	_ =	strace $0x9FFFFFFF  }
0xc3: {  	(tm) =	ssettm $0x7FFFFFFF  }
tec
execute0_lowered:
.L_overlay_start_1:
0x0: {  	(tag) =	ssettag $0x1  }
0x1: {  	s10 =	rddreg [dreg:$0x0]  }
0x2: {  	s5 =	rddreg [dreg:$0x1]  }
0x3: {  	s2 =	rddreg [dreg:$0x2]  }
0x4: {  	s0 =	rddreg [dreg:$0x3]  }
0x5: {  	s1 =	stileid.u32;
	s4 =	srdreg.scid  }
0x6: {  	s3 =	simm.s32 $0x0;
	s15 =	simm.s32 $0x0;
	s11 =	smul.u32 $0x9E0, s1  }
0x7: {  	s6 =	smul.u32 $0x2780, s1;
	s7 =	sand.u32 $0x1, s4;
	[smem:$0x7FF] =	sst s3  }
0x8: {  	s4 =	sadd.s32 $0x34200, s5;
	s13 =	smul.u32 $0x4F000, s1;
	s31 =	sshll.u32 s1, $0x6  }
0x9: {  	s8 =	smul.u32 $0x27800, s7;
	_ =	strace $0x8000004A;
	s12 =	ssub.s32 $0x2, s7  }
0xa: {  	s30 =	smul.u32 $0x4F0, s7;
	s9 =	sadd.s32 s11, s5;
	s28 =	sshrl.u32 s12, $0x1  }
0xb: {  	s29 =	sshrl.u32 s13, $0x2;
	s10 =	sadd.s32 s11, s10;
	s13 =	simm.s32 $0x80  }
0xc: {  	s8 =	sadd.s32 s6, s8;
	s6 =	sadd.s32 s6, s5;
	s12 =	ssub.s32 s12, s28  }
0xd: {  	s14 =	sadd.s32 s29, s2;
	s9 =	sadd.s32 s30, s9;
	s10 =	sadd.s32 s30, s10  }
0xe: {  	s8 =	sadd.s32 s8, s5;
	s5 =	sadd.s32 $0xCA00, s6;
	s6 =	sor.u32 $0x1C01, s31  }
0xf: {  	s9 =	sadd.s32 $0x2C00, s9;
	s11 =	sshrl.u32 s14, $0x3;
	s14 =	simm.s32 $0x100  }
0x10: {  	s7 =	sadd.s32 $0x5B400, s8;
	s8 =	smax.u32 s12, $0x1;
	s12 =	simm.s32 $0x1  }
.LBB2_1:
0x11: {  	[spmem:s11], [sflag:s6] =	dma.local [hbm:s5], $0x2780  }
0x12: {  	_ =	swait.ge [sflag:s12], $0x2780  }
0x13: {  	[sflag:s12] =	ssyncset.done $0x0  }
0x14: {  	[sflag:s12] =	ssyncadd.s32 $0xFFFFD880  }
0x15: {  	s16 =	sadd.s32 $0x0, s10;
	[bflag:$0x0] =	sbarrier.arrive $0xFFFF  }
0x16: {  	[tilespmem:s3], [sflag:$0x1] =	stream.linear.gather [hbm4b:s16+s3], $0x80, $0x38;
	[tilespmem:$0x17D00] =	vst v63  }
0x17: {  	_ =	swait.ge [sflag:s12], $0x80  }
0x18: {  	[sflag:s12] =	ssyncset.done $0x0  }
0x19: {  	s31 =	sadd.s32 $0x0, s9;
	[sflag:s12] =	ssyncadd.s32 $0xFFFFFF80  }
0x1a: {  	[tilespmem:s13], [sflag:$0x1] =	stream.linear.gather [hbm4b:s31+s3], $0x80, $0x38;
	[tilespmem:$0x17D00] =	vst v63  }
0x1b: {  	_ =	swait.ge [sflag:s12], $0x80  }
0x1c: {  	[sflag:s12] =	ssyncset.done $0x0  }
0x1d: {  	[sflag:s12] =	ssyncadd.s32 $0xFFFFFF80  }
0x1e: {  	[tilespmem:s14], [sflag:$0x1] =	stream.indirect.gather [hbm4b:s4+s13], $0x80, s3, s13, $0xb8;
	[tilespmem:$0x17D00] =	vst v63  }
0x1f: {  	_ =	swait.ge [sflag:s12], $0x4000  }
0x20: {  	[sflag:s12] =	ssyncset.done $0x0  }
0x21: {  	[sflag:s12] =	ssyncadd.s32 $0xFFFFC000  }
0x22: {  	[spmem:s2] =	stream.indirect.scatter.add.f32 [tilespmem:s14], [sflag:$0x1], $0x80, s13, s13, $0xb8;
	[tilespmem:$0x17D00] =	vst v63  }
0x23: {  	_ =	swait.ge [sflag:s12], $0x4000  }
0x24: {  	s17 =	simm.s32 $0x20;
	s16 =	simm.s32 $0x10;
	[sflag:s12] =	ssyncset.done $0x0  }
.LBB2_2:
0x25: {  	s18 =	sadd.s32 s16, s10  }
0x26: {  	[sflag:s12] =	ssyncadd.s32 $0xFFFFC000;
	s19 =	smov.u32 s17;
	s20 =	sadd.s32 $0x10, s17  }
0x27: {  	[tilespmem:s3], [sflag:$0x1] =	stream.linear.gather [hbm4b:s18+s3], $0x80, $0x38;
	[tilespmem:$0x17D00] =	vst v63  }
0x28: {  	p0 =	sne.s32 s17, $0x4E0;
	_ =	swait.ge [sflag:s12], $0x80  }
0x29: {  	[sflag:s12] =	ssyncset.done $0x0  }
0x2a: {  	s17 =	sadd.s32 s16, s9;
	s16 =	smov.u32 s19;
	[sflag:s12] =	ssyncadd.s32 $0xFFFFFF80  }
0x2b: {  	[tilespmem:s13], [sflag:$0x1] =	stream.linear.gather [hbm4b:s17+s3], $0x80, $0x38;
	[tilespmem:$0x17D00] =	vst v63  }
0x2c: {  	_ =	swait.ge [sflag:s12], $0x80  }
0x2d: {  	[sflag:s12] =	ssyncset.done $0x0  }
0x2e: {  	[sflag:s12] =	ssyncadd.s32 $0xFFFFFF80  }
0x2f: {  	[tilespmem:s14], [sflag:$0x1] =	stream.indirect.gather [hbm4b:s4+s13], $0x80, s3, s13, $0xb8;
	[tilespmem:$0x17D00] =	vst v63  }
0x30: {  	_ =	swait.ge [sflag:s12], $0x4000  }
.Ltmp0:
0x31: {  	[sflag:s12] =	ssyncset.done $0x0;
	(pc) =	sbr.rel @p0 .LBB2_2-.Ltmp0, $4  }
0x32: {  	[sflag:s12] =	ssyncadd.s32 $0xFFFFC000  }
0x33: {  	[spmem:s2] =	stream.indirect.scatter.add.f32 [tilespmem:s14], [sflag:$0x1], $0x80, s13, s13, $0xb8;
	[tilespmem:$0x17D00] =	vst v63  }
0x34: {  	_ =	swait.ge [sflag:s12], $0x4000  }
0x35: {  	s17 =	smov.u32 s20;
	[sflag:s12] =	ssyncset.done $0x0  }
0x36: {  	s17 =	sadd.s32 s16, s10;
	[sflag:s12] =	ssyncadd.s32 $0xFFFFC000  }
0x37: {  	[tilespmem:s3], [sflag:$0x1] =	stream.linear.gather [hbm4b:s17+s3], $0x80, $0x38;
	[tilespmem:$0x17D00] =	vst v63  }
0x38: {  	_ =	swait.ge [sflag:s12], $0x80  }
0x39: {  	[sflag:s12] =	ssyncset.done $0x0  }
0x3a: {  	s31 =	sadd.s32 s16, s9;
	[sflag:s12] =	ssyncadd.s32 $0xFFFFFF80  }
0x3b: {  	[tilespmem:s13], [sflag:$0x1] =	stream.linear.gather [hbm4b:s31+s3], $0x80, $0x38;
	[tilespmem:$0x17D00] =	vst v63  }
0x3c: {  	_ =	swait.ge [sflag:s12], $0x80  }
0x3d: {  	[sflag:s12] =	ssyncset.done $0x0  }
0x3e: {  	[sflag:s12] =	ssyncadd.s32 $0xFFFFFF80  }
0x3f: {  	[tilespmem:s14], [sflag:$0x1] =	stream.indirect.gather [hbm4b:s4+s13], $0x80, s3, s13, $0xb8;
	[tilespmem:$0x17D00] =	vst v63  }
0x40: {  	_ =	swait.ge [sflag:s12], $0x4000  }
0x41: {  	[sflag:s12] =	ssyncset.done $0x0  }
0x42: {  	[sflag:s12] =	ssyncadd.s32 $0xFFFFC000  }
0x43: {  	[spmem:s2] =	stream.indirect.scatter.add.f32 [tilespmem:s14], [sflag:$0x1], $0x80, s13, s13, $0xb8;
	[tilespmem:$0x17D00] =	vst v63  }
0x44: {  	_ =	swait.ge [sflag:s12], $0x4000  }
0x45: {  	s15 =	sadd.s32 $0x1, s15;
	[sflag:s12] =	ssyncset.done $0x0  }
0x46: {  	p0 =	sne.s32 s15, s8;
	[sflag:s12] =	ssyncadd.s32 $0xFFFFC000  }
.Ltmp1:
0x47: {  	[bflag:$0x0] =	sbarrier.arrive $0xFFFF;
	(pc) =	sbr.rel @p0 .LBB2_1-.Ltmp1, $4  }
0x48: {  	[hbm:s7], [sflag:s6] =	dma.local [spmem:s11], $0x2780  }
0x49: {  	_ =	swait.ge [sflag:s12], $0x2780  }
0x4a: {  	[sflag:s12] =	ssyncset.done $0x0  }
0x4b: {  	[sflag:s12] =	ssyncadd.s32 $0xFFFFD880  }
0x4c: {  	_ =	sfence.sel $0x180000  }
0x4d: {  	[bflag:$0x0] =	sbarrier.arrive $0xFFFF  }
0x4e: {  	p0 =	sne.s32 s1, $0x0;
	_ =	strace $0x9000004A  }
0x4f: {  	s0 =	sadd.s32 @!p0 $0x100000, s0;
	[bflag:$0x2] =	sbarrier.arrive $0xFFFF  }
0x50: {  	[sflag:s0] =	ssyncadd.tile.s32 @!p0 $0x1;
	_ =	shalt  }
.Lfunc_end2:
_tile_overlayer_lowered:
.L_overlay_start_2:
0x51: {  	(tag) =	ssettag $0x2  }
0x52: {  	s0 =	rddreg [dreg:$0x0];
	s2 =	stileid.u32  }
0x53: {  	s1 =	rddreg [dreg:$0x1];
	p0 =	sne.s32 s2, $0x0  }
0x54: {  	s3 =	rddreg [dreg:$0x2];
	[bflag:$0x3] =	sbarrier.arrive $0xFFFF;
	s2 =	simm.s32 @!p0 $0x1C01  }
0x55: {  	[timem:s3], [sflag:s2] =	dma.local @!p0 [hbm:s0], s1  }
0x56: {  	s0 =	simm.s32 @!p0 $0x1  }
0x57: {  	_ =	swait.ge @!p0 [sflag:s0], s1  }
0x58: {  	s1 =	ssub.s32 @!p0 $0x0, s1;
	[sflag:s0] =	ssyncset.done @!p0 $0x0  }
0x59: {  	[sflag:s0] =	ssyncadd.s32 @!p0 s1  }
0x5a: {  	[bflag:$0x3] =	sbarrier.arrive $0xFFFF  }
0x5b: {  	_ =	shalt  }

</sc_bundles>
